<compile_context>
chip_gen: v7x
topology: tpu7x:2x2x1
jax: 0.10.2.dev20260603
libtpu: 0.0.44.dev20260713+nightly
codegen_flags: <defaults>
</compile_context>

<pallas_src>
import functools

import jax
import jax.numpy as jnp
from jax import lax
from jax.experimental import pallas as pl
from jax.experimental.pallas import tpu as pltpu
from jax.experimental.pallas import tpu_sc as plsc

_NUM_PONDS = 10
_CAPACITY = 10000



def _make_idx_body(rows, seq):
    per_b = seq // rows

    def _idx_body(x_ref, pond_ref, out_ref):
        i = pl.program_id(0)
        s = jnp.sum(x_ref[0], axis=-1)
        flavor = jnp.abs(s).astype(jnp.int32) % _CAPACITY
        pond = pond_ref[i // per_b, pl.ds((i % per_b) * rows, rows)]
        out_ref[...] = pond * _CAPACITY + flavor

    return _idx_body


def _compute_indices(x, pond):
    b, seq, d = x.shape
    n = b * seq
    rows = 2048
    grid = n // rows
    per_b = seq // rows
    return pl.pallas_call(
        _make_idx_body(rows, seq),
        grid=(grid,),
        in_specs=[
            pl.BlockSpec((1, rows, d), lambda i: (i // per_b, i % per_b, 0)),
            pl.BlockSpec((b, seq), lambda i: (0, 0)),
        ],
        out_specs=pl.BlockSpec((rows,), lambda i: (i,)),
        out_shape=jax.ShapeDtypeStruct((n,), jnp.int32),
    )(x, pond)



@functools.cache
def _make_gather(d, n):
    info = plsc.get_sparse_core_info()
    nw = info.num_cores * info.num_subcores
    rows_per_w = n // nw
    ch = min(40, rows_per_w)
    nbuf = 3
    sizes = [ch] * (rows_per_w // ch)
    if rows_per_w % ch:
        sizes.append(rows_per_w % ch)
    offs = [sum(sizes[:i]) for i in range(len(sizes))]
    n_inner = len(sizes)

    mesh = plsc.VectorSubcoreMesh(core_axis_name="c", subcore_axis_name="s")

    @functools.partial(
        pl.kernel,
        mesh=mesh,
        out_type=jax.ShapeDtypeStruct((n, d), jnp.float32),
        scratch_types=[
            pltpu.VMEM((rows_per_w,), jnp.int32),
            *[pltpu.VMEM((ch, d), jnp.float32) for _ in range(nbuf)],
            *[pltpu.SemaphoreType.DMA for _ in range(2 * nbuf)],
        ],
    )
    def gather(table_hbm, idx_hbm, out_hbm, *scratch):
        idx_v = scratch[0]
        bufs = scratch[1:1 + nbuf]
        gsem = scratch[1 + nbuf:1 + 2 * nbuf]
        osem = scratch[1 + 2 * nbuf:]
        wid = lax.axis_index("s") * info.num_cores + lax.axis_index("c")
        base = wid * rows_per_w
        pltpu.sync_copy(idx_hbm.at[pl.ds(base, rows_per_w)], idx_v)

        def start_gather(c, b):
            return pltpu.async_copy(
                table_hbm.at[idx_v.at[pl.ds(offs[c], sizes[c])]],
                bufs[b].at[pl.ds(0, sizes[c])], gsem[b])

        gcp = [None] * nbuf
        ocp = [None] * nbuf
        for c in range(min(nbuf, n_inner)):
            gcp[c] = start_gather(c, c)
        for c in range(n_inner):
            b = c % nbuf
            gcp[b].wait()
            ocp[b] = pltpu.async_copy(
                bufs[b].at[pl.ds(0, sizes[c])],
                out_hbm.at[pl.ds(base + offs[c], sizes[c])],
                osem[b])
            nxt = c + nbuf
            if nxt < n_inner:
                ocp[b].wait()
                gcp[b] = start_gather(nxt, b)
        for c in range(max(0, n_inner - nbuf), n_inner):
            ocp[c % nbuf].wait()

    return gather


def kernel(context_vector, pond_assignments, tables):
    b, s, d = context_vector.shape
    n = b * s
    table_flat = tables.reshape(_NUM_PONDS * _CAPACITY, d)
    idx = _compute_indices(context_vector, pond_assignments.astype(jnp.int32))
    out = _make_gather(d, n)(table_flat, idx)
    return out.reshape(b, s, d)

# --- scband reference (transcript-rebuilt; emitter-appended) ---
"""Pipeline reference for scband-neural-ponds-54898271977921 (READ-ONLY COPY).

The authoritative reference and input builder live on the scoring server;
editing this copy changes nothing except your own understanding.
"""

import jax, jax.numpy as jnp
import numpy as np

NUM_PONDS = 10
POND_CAPACITY = 10000
D_MODEL = 1024
BATCH = 2
SEQ_LEN = 4096


def setup_inputs(seed: int = 0) -> dict:
    key = jax.random.key(seed)
    k1, k2, k3 = jax.random.split(key, 3)
    context_vector = jax.random.normal(k1, (BATCH, SEQ_LEN, D_MODEL), dtype=jnp.float32)
    pond_assignments = jax.random.randint(k2, (BATCH, SEQ_LEN), 0, NUM_PONDS, dtype=jnp.int32)
    # Learned parameters: one embedding table per pond, stacked as [num_ponds, capacity, d_model]
    tables = jax.random.normal(k3, (NUM_PONDS, POND_CAPACITY, D_MODEL), dtype=jnp.float32)
    return {"context_vector": context_vector, "pond_assignments": pond_assignments, "tables": tables}


def reference(context_vector, pond_assignments, tables):
    # Per-token flavor index: int(abs(sum over d_model)) % pond_capacity (trunc toward zero, abs makes it nonneg)
    flavor_idx = jnp.abs(jnp.sum(context_vector, axis=-1)).astype(jnp.int32) % POND_CAPACITY  # [B, S]
    pond_idx = pond_assignments.astype(jnp.int32)  # [B, S]
    # Gather: water_output[b, s] = ponds[pond_idx[b,s]].weight[flavor_idx[b,s]]
    water_output = tables[pond_idx, flavor_idx]  # [B, S, D_MODEL]
    return water_output

if __name__ == "__main__":
    import jax
    _d = setup_inputs()
    print(jax.jit(kernel)(*tuple(_d.values())))

</pallas_src>

<mosaic_0001>
#map = affine_map<(d0, d1) -> (0, 0)>
#map1 = affine_map<(d0, d1) -> (0)>
module attributes {stable_mosaic.version = 14 : i64} {
  func.func @gather(%arg0: i32, %arg1: i32, %arg2: memref<100000x1024xf32, #tpu.memory_space<hbm>>, %arg3: memref<8192xi32, #tpu.memory_space<hbm>>, %arg4: memref<8192x1024xf32, #tpu.memory_space<hbm>>, %arg5: memref<256xi32, #tpu.memory_space<vmem>>, %arg6: memref<40x1024xf32, #tpu.memory_space<vmem>>, %arg7: memref<40x1024xf32, #tpu.memory_space<vmem>>, %arg8: memref<40x1024xf32, #tpu.memory_space<vmem>>, %arg9: memref<!tpu.dma_semaphore, #tpu.memory_space<semaphore_mem>>, %arg10: memref<!tpu.dma_semaphore, #tpu.memory_space<semaphore_mem>>, %arg11: memref<!tpu.dma_semaphore, #tpu.memory_space<semaphore_mem>>, %arg12: memref<!tpu.dma_semaphore, #tpu.memory_space<semaphore_mem>>, %arg13: memref<!tpu.dma_semaphore, #tpu.memory_space<semaphore_mem>>, %arg14: memref<!tpu.dma_semaphore, #tpu.memory_space<semaphore_mem>>) attributes {dimension_semantics = [#tpu.dimension_semantics<core_parallel>, #tpu.dimension_semantics<subcore_parallel>], iteration_bounds = array<i64: 2, 16>, scalar_prefetch = 0 : i64, scratch_operands = 10 : i64, tpu.core_type = #tpu.core_type<sc_vector_subcore>, window_params = [{transform_indices = #map}, {transform_indices = #map1}, {transform_indices = #map}]} {
    %mul3A = arith.constant 2 : i32
    %mul3A_0 = arith.muli %arg1, %mul3A : i32
    %add3A = arith.addi %mul3A_0, %arg0 : i32
    %mul3A_1 = arith.constant 256 : i32
    %mul3A_2 = arith.muli %add3A, %mul3A_1 : i32
    "tpu.region"() ({
      %run_scoped3A = tpu.sem_alloc : memref<!tpu.dma_semaphore, #tpu.memory_space<semaphore_mem>>
      %dma_start3A_267 = tpu.memref_slice %arg3[%mul3A_2] : memref<8192xi32, #tpu.memory_space<hbm>> -> memref<256xi32, #tpu.memory_space<hbm>>
      %dma_start3A_268 = tpu.memref_slice %arg3[%mul3A_2] : memref<8192xi32, #tpu.memory_space<hbm>> -> memref<256xi32, #tpu.memory_space<hbm>>
      tpu.enqueue_dma source(%dma_start3A_268 : memref<256xi32, #tpu.memory_space<hbm>>) target(%arg5 : memref<256xi32, #tpu.memory_space<vmem>>) target_semaphore(%run_scoped3A : memref<!tpu.dma_semaphore, #tpu.memory_space<semaphore_mem>>)
      %dma_wait3A_269 = tpu.memref_slice %arg3[%mul3A_2] : memref<8192xi32, #tpu.memory_space<hbm>> -> memref<256xi32, #tpu.memory_space<hbm>>
      %dma_wait3A_270 = tpu.memref_slice %arg3[%mul3A_2] : memref<8192xi32, #tpu.memory_space<hbm>> -> memref<256xi32, #tpu.memory_space<hbm>>
      tpu.wait_dma2 semaphore(%run_scoped3A : memref<!tpu.dma_semaphore, #tpu.memory_space<semaphore_mem>>) src(%dma_wait3A_270 : memref<256xi32, #tpu.memory_space<hbm>>) dst(%arg5 : memref<256xi32, #tpu.memory_space<vmem>>)
      tpu.yield
    }) : () -> ()
    %dma_start3A = arith.constant 0 : i32
    %dma_start3A_3 = arith.constant 0 : i32
    %dma_start3A_4 = tpu.memref_slice %arg6[%dma_start3A, %dma_start3A_3] : memref<40x1024xf32, #tpu.memory_space<vmem>> -> memref<40x1024xf32, #tpu.memory_space<vmem>>
    %dma_start3A_5 = arith.constant 0 : i32
    %dma_start3A_6 = tpu.memref_slice %arg5[%dma_start3A_5] : memref<256xi32, #tpu.memory_space<vmem>> -> memref<40xi32, #tpu.memory_space<vmem>>
    %dma_start3A_7 = arith.constant 0 : i32
    %dma_start3A_8 = arith.constant 0 : i32
    %dma_start3A_9 = tpu.memref_slice %arg2[%dma_start3A_7, %dma_start3A_8] : memref<100000x1024xf32, #tpu.memory_space<hbm>> -> memref<100000x1024xf32, #tpu.memory_space<hbm>>
    tpu.enqueue_indirect_dma source(%dma_start3A_9 : memref<100000x1024xf32, #tpu.memory_space<hbm>>) target(%dma_start3A_4 : memref<40x1024xf32, #tpu.memory_space<vmem>>) offsets(%dma_start3A_6 : memref<40xi32, #tpu.memory_space<vmem>>) semaphore(%arg9 : memref<!tpu.dma_semaphore, #tpu.memory_space<semaphore_mem>>)
    %dma_start3A_10 = arith.constant 0 : i32
    %dma_start3A_11 = arith.constant 0 : i32
    %dma_start3A_12 = tpu.memref_slice %arg7[%dma_start3A_10, %dma_start3A_11] : memref<40x1024xf32, #tpu.memory_space<vmem>> -> memref<40x1024xf32, #tpu.memory_space<vmem>>
    %dma_start3A_13 = arith.constant 40 : i32
    %dma_start3A_14 = tpu.memref_slice %arg5[%dma_start3A_13] : memref<256xi32, #tpu.memory_space<vmem>> -> memref<40xi32, #tpu.memory_space<vmem>>
    %dma_start3A_15 = arith.constant 0 : i32
    %dma_start3A_16 = arith.constant 0 : i32
    %dma_start3A_17 = tpu.memref_slice %arg2[%dma_start3A_15, %dma_start3A_16] : memref<100000x1024xf32, #tpu.memory_space<hbm>> -> memref<100000x1024xf32, #tpu.memory_space<hbm>>
    tpu.enqueue_indirect_dma source(%dma_start3A_17 : memref<100000x1024xf32, #tpu.memory_space<hbm>>) target(%dma_start3A_12 : memref<40x1024xf32, #tpu.memory_space<vmem>>) offsets(%dma_start3A_14 : memref<40xi32, #tpu.memory_space<vmem>>) semaphore(%arg10 : memref<!tpu.dma_semaphore, #tpu.memory_space<semaphore_mem>>)
    %dma_start3A_18 = arith.constant 0 : i32
    %dma_start3A_19 = arith.constant 0 : i32
    %dma_start3A_20 = tpu.memref_slice %arg8[%dma_start3A_18, %dma_start3A_19] : memref<40x1024xf32, #tpu.memory_space<vmem>> -> memref<40x1024xf32, #tpu.memory_space<vmem>>
    %dma_start3A_21 = arith.constant 80 : i32
    %dma_start3A_22 = tpu.memref_slice %arg5[%dma_start3A_21] : memref<256xi32, #tpu.memory_space<vmem>> -> memref<40xi32, #tpu.memory_space<vmem>>
    %dma_start3A_23 = arith.constant 0 : i32
    %dma_start3A_24 = arith.constant 0 : i32
    %dma_start3A_25 = tpu.memref_slice %arg2[%dma_start3A_23, %dma_start3A_24] : memref<100000x1024xf32, #tpu.memory_space<hbm>> -> memref<100000x1024xf32, #tpu.memory_space<hbm>>
    tpu.enqueue_indirect_dma source(%dma_start3A_25 : memref<100000x1024xf32, #tpu.memory_space<hbm>>) target(%dma_start3A_20 : memref<40x1024xf32, #tpu.memory_space<vmem>>) offsets(%dma_start3A_22 : memref<40xi32, #tpu.memory_space<vmem>>) semaphore(%arg11 : memref<!tpu.dma_semaphore, #tpu.memory_space<semaphore_mem>>)
    %dma_wait3A = arith.constant 0 : i32
    %dma_wait3A_26 = arith.constant 0 : i32
    %dma_wait3A_27 = tpu.memref_slice %arg6[%dma_wait3A, %dma_wait3A_26] : memref<40x1024xf32, #tpu.memory_space<vmem>> -> memref<40x1024xf32, #tpu.memory_space<vmem>>
    %dma_wait3A_28 = arith.constant 0 : i32
    %dma_wait3A_29 = tpu.memref_slice %arg5[%dma_wait3A_28] : memref<256xi32, #tpu.memory_space<vmem>> -> memref<40xi32, #tpu.memory_space<vmem>>
    %dma_wait3A_30 = arith.constant 0 : i32
    %dma_wait3A_31 = arith.constant 0 : i32
    %dma_wait3A_32 = tpu.memref_slice %arg2[%dma_wait3A_30, %dma_wait3A_31] : memref<100000x1024xf32, #tpu.memory_space<hbm>> -> memref<100000x1024xf32, #tpu.memory_space<hbm>>
    tpu.wait_indirect_dma semaphore(%arg9 : memref<!tpu.dma_semaphore, #tpu.memory_space<semaphore_mem>>) src(%dma_wait3A_32 : memref<100000x1024xf32, #tpu.memory_space<hbm>>) dst(%dma_wait3A_27 : memref<40x1024xf32, #tpu.memory_space<vmem>>)
    %add3A_33 = arith.constant 0 : i32
    %add3A_34 = arith.addi %mul3A_2, %add3A_33 : i32
    %dma_start3A_35 = arith.constant 0 : i32
    %dma_start3A_36 = arith.constant 0 : i32
    %dma_start3A_37 = tpu.memref_slice %arg6[%dma_start3A_35, %dma_start3A_36] : memref<40x1024xf32, #tpu.memory_space<vmem>> -> memref<40x1024xf32, #tpu.memory_space<vmem>>
    %dma_start3A_38 = arith.constant 0 : i32
    %dma_start3A_39 = tpu.memref_slice %arg4[%add3A_34, %dma_start3A_38] : memref<8192x1024xf32, #tpu.memory_space<hbm>> -> memref<40x1024xf32, #tpu.memory_space<hbm>>
    %dma_start3A_40 = arith.constant 0 : i32
    %dma_start3A_41 = tpu.memref_slice %arg4[%add3A_34, %dma_start3A_40] : memref<8192x1024xf32, #tpu.memory_space<hbm>> -> memref<40x1024xf32, #tpu.memory_space<hbm>>
    %dma_start3A_42 = arith.constant 0 : i32
    %dma_start3A_43 = arith.constant 0 : i32
    %dma_start3A_44 = tpu.memref_slice %arg6[%dma_start3A_42, %dma_start3A_43] : memref<40x1024xf32, #tpu.memory_space<vmem>> -> memref<40x1024xf32, #tpu.memory_space<vmem>>
    tpu.enqueue_dma source(%dma_start3A_44 : memref<40x1024xf32, #tpu.memory_space<vmem>>) target(%dma_start3A_41 : memref<40x1024xf32, #tpu.memory_space<hbm>>) target_semaphore(%arg12 : memref<!tpu.dma_semaphore, #tpu.memory_space<semaphore_mem>>)
    %dma_wait3A_45 = arith.constant 0 : i32
    %dma_wait3A_46 = arith.constant 0 : i32
    %dma_wait3A_47 = tpu.memref_slice %arg6[%dma_wait3A_45, %dma_wait3A_46] : memref<40x1024xf32, #tpu.memory_space<vmem>> -> memref<40x1024xf32, #tpu.memory_space<vmem>>
    %dma_wait3A_48 = arith.constant 0 : i32
    %dma_wait3A_49 = tpu.memref_slice %arg4[%add3A_34, %dma_wait3A_48] : memref<8192x1024xf32, #tpu.memory_space<hbm>> -> memref<40x1024xf32, #tpu.memory_space<hbm>>
    %dma_wait3A_50 = arith.constant 0 : i32
    %dma_wait3A_51 = tpu.memref_slice %arg4[%add3A_34, %dma_wait3A_50] : memref<8192x1024xf32, #tpu.memory_space<hbm>> -> memref<40x1024xf32, #tpu.memory_space<hbm>>
    %dma_wait3A_52 = arith.constant 0 : i32
    %dma_wait3A_53 = arith.constant 0 : i32
    %dma_wait3A_54 = tpu.memref_slice %arg6[%dma_wait3A_52, %dma_wait3A_53] : memref<40x1024xf32, #tpu.memory_space<vmem>> -> memref<40x1024xf32, #tpu.memory_space<vmem>>
    tpu.wait_dma2 semaphore(%arg12 : memref<!tpu.dma_semaphore, #tpu.memory_space<semaphore_mem>>) src(%dma_wait3A_54 : memref<40x1024xf32, #tpu.memory_space<vmem>>) dst(%dma_wait3A_51 : memref<40x1024xf32, #tpu.memory_space<hbm>>)
    %dma_start3A_55 = arith.constant 0 : i32
    %dma_start3A_56 = arith.constant 0 : i32
    %dma_start3A_57 = tpu.memref_slice %arg6[%dma_start3A_55, %dma_start3A_56] : memref<40x1024xf32, #tpu.memory_space<vmem>> -> memref<40x1024xf32, #tpu.memory_space<vmem>>
    %dma_start3A_58 = arith.constant 120 : i32
    %dma_start3A_59 = tpu.memref_slice %arg5[%dma_start3A_58] : memref<256xi32, #tpu.memory_space<vmem>> -> memref<40xi32, #tpu.memory_space<vmem>>
    %dma_start3A_60 = arith.constant 0 : i32
    %dma_start3A_61 = arith.constant 0 : i32
    %dma_start3A_62 = tpu.memref_slice %arg2[%dma_start3A_60, %dma_start3A_61] : memref<100000x1024xf32, #tpu.memory_space<hbm>> -> memref<100000x1024xf32, #tpu.memory_space<hbm>>
    tpu.enqueue_indirect_dma source(%dma_start3A_62 : memref<100000x1024xf32, #tpu.memory_space<hbm>>) target(%dma_start3A_57 : memref<40x1024xf32, #tpu.memory_space<vmem>>) offsets(%dma_start3A_59 : memref<40xi32, #tpu.memory_space<vmem>>) semaphore(%arg9 : memref<!tpu.dma_semaphore, #tpu.memory_space<semaphore_mem>>)
    %dma_wait3A_63 = arith.constant 0 : i32
    %dma_wait3A_64 = arith.constant 0 : i32
    %dma_wait3A_65 = tpu.memref_slice %arg7[%dma_wait3A_63, %dma_wait3A_64] : memref<40x1024xf32, #tpu.memory_space<vmem>> -> memref<40x1024xf32, #tpu.memory_space<vmem>>
    %dma_wait3A_66 = arith.constant 40 : i32
    %dma_wait3A_67 = tpu.memref_slice %arg5[%dma_wait3A_66] : memref<256xi32, #tpu.memory_space<vmem>> -> memref<40xi32, #tpu.memory_space<vmem>>
    %dma_wait3A_68 = arith.constant 0 : i32
    %dma_wait3A_69 = arith.constant 0 : i32
    %dma_wait3A_70 = tpu.memref_slice %arg2[%dma_wait3A_68, %dma_wait3A_69] : memref<100000x1024xf32, #tpu.memory_space<hbm>> -> memref<100000x1024xf32, #tpu.memory_space<hbm>>
    tpu.wait_indirect_dma semaphore(%arg10 : memref<!tpu.dma_semaphore, #tpu.memory_space<semaphore_mem>>) src(%dma_wait3A_70 : memref<100000x1024xf32, #tpu.memory_space<hbm>>) dst(%dma_wait3A_65 : memref<40x1024xf32, #tpu.memory_space<vmem>>)
    %add3A_71 = arith.constant 40 : i32
    %add3A_72 = arith.addi %mul3A_2, %add3A_71 : i32
    %dma_start3A_73 = arith.constant 0 : i32
    %dma_start3A_74 = arith.constant 0 : i32
    %dma_start3A_75 = tpu.memref_slice %arg7[%dma_start3A_73, %dma_start3A_74] : memref<40x1024xf32, #tpu.memory_space<vmem>> -> memref<40x1024xf32, #tpu.memory_space<vmem>>
    %dma_start3A_76 = arith.constant 0 : i32
    %dma_start3A_77 = tpu.memref_slice %arg4[%add3A_72, %dma_start3A_76] : memref<8192x1024xf32, #tpu.memory_space<hbm>> -> memref<40x1024xf32, #tpu.memory_space<hbm>>
    %dma_start3A_78 = arith.constant 0 : i32
    %dma_start3A_79 = tpu.memref_slice %arg4[%add3A_72, %dma_start3A_78] : memref<8192x1024xf32, #tpu.memory_space<hbm>> -> memref<40x1024xf32, #tpu.memory_space<hbm>>
    %dma_start3A_80 = arith.constant 0 : i32
    %dma_start3A_81 = arith.constant 0 : i32
    %dma_start3A_82 = tpu.memref_slice %arg7[%dma_start3A_80, %dma_start3A_81] : memref<40x1024xf32, #tpu.memory_space<vmem>> -> memref<40x1024xf32, #tpu.memory_space<vmem>>
    tpu.enqueue_dma source(%dma_start3A_82 : memref<40x1024xf32, #tpu.memory_space<vmem>>) target(%dma_start3A_79 : memref<40x1024xf32, #tpu.memory_space<hbm>>) target_semaphore(%arg13 : memref<!tpu.dma_semaphore, #tpu.memory_space<semaphore_mem>>)
    %dma_wait3A_83 = arith.constant 0 : i32
    %dma_wait3A_84 = arith.constant 0 : i32
    %dma_wait3A_85 = tpu.memref_slice %arg7[%dma_wait3A_83, %dma_wait3A_84] : memref<40x1024xf32, #tpu.memory_space<vmem>> -> memref<40x1024xf32, #tpu.memory_space<vmem>>
    %dma_wait3A_86 = arith.constant 0 : i32
    %dma_wait3A_87 = tpu.memref_slice %arg4[%add3A_72, %dma_wait3A_86] : memref<8192x1024xf32, #tpu.memory_space<hbm>> -> memref<40x1024xf32, #tpu.memory_space<hbm>>
    %dma_wait3A_88 = arith.constant 0 : i32
    %dma_wait3A_89 = tpu.memref_slice %arg4[%add3A_72, %dma_wait3A_88] : memref<8192x1024xf32, #tpu.memory_space<hbm>> -> memref<40x1024xf32, #tpu.memory_space<hbm>>
    %dma_wait3A_90 = arith.constant 0 : i32
    %dma_wait3A_91 = arith.constant 0 : i32
    %dma_wait3A_92 = tpu.memref_slice %arg7[%dma_wait3A_90, %dma_wait3A_91] : memref<40x1024xf32, #tpu.memory_space<vmem>> -> memref<40x1024xf32, #tpu.memory_space<vmem>>
    tpu.wait_dma2 semaphore(%arg13 : memref<!tpu.dma_semaphore, #tpu.memory_space<semaphore_mem>>) src(%dma_wait3A_92 : memref<40x1024xf32, #tpu.memory_space<vmem>>) dst(%dma_wait3A_89 : memref<40x1024xf32, #tpu.memory_space<hbm>>)
    %dma_start3A_93 = arith.constant 0 : i32
    %dma_start3A_94 = arith.constant 0 : i32
    %dma_start3A_95 = tpu.memref_slice %arg7[%dma_start3A_93, %dma_start3A_94] : memref<40x1024xf32, #tpu.memory_space<vmem>> -> memref<40x1024xf32, #tpu.memory_space<vmem>>
    %dma_start3A_96 = arith.constant 160 : i32
    %dma_start3A_97 = tpu.memref_slice %arg5[%dma_start3A_96] : memref<256xi32, #tpu.memory_space<vmem>> -> memref<40xi32, #tpu.memory_space<vmem>>
    %dma_start3A_98 = arith.constant 0 : i32
    %dma_start3A_99 = arith.constant 0 : i32
    %dma_start3A_100 = tpu.memref_slice %arg2[%dma_start3A_98, %dma_start3A_99] : memref<100000x1024xf32, #tpu.memory_space<hbm>> -> memref<100000x1024xf32, #tpu.memory_space<hbm>>
    tpu.enqueue_indirect_dma source(%dma_start3A_100 : memref<100000x1024xf32, #tpu.memory_space<hbm>>) target(%dma_start3A_95 : memref<40x1024xf32, #tpu.memory_space<vmem>>) offsets(%dma_start3A_97 : memref<40xi32, #tpu.memory_space<vmem>>) semaphore(%arg10 : memref<!tpu.dma_semaphore, #tpu.memory_space<semaphore_mem>>)
    %dma_wait3A_101 = arith.constant 0 : i32
    %dma_wait3A_102 = arith.constant 0 : i32
    %dma_wait3A_103 = tpu.memref_slice %arg8[%dma_wait3A_101, %dma_wait3A_102] : memref<40x1024xf32, #tpu.memory_space<vmem>> -> memref<40x1024xf32, #tpu.memory_space<vmem>>
    %dma_wait3A_104 = arith.constant 80 : i32
    %dma_wait3A_105 = tpu.memref_slice %arg5[%dma_wait3A_104] : memref<256xi32, #tpu.memory_space<vmem>> -> memref<40xi32, #tpu.memory_space<vmem>>
    %dma_wait3A_106 = arith.constant 0 : i32
    %dma_wait3A_107 = arith.constant 0 : i32
    %dma_wait3A_108 = tpu.memref_slice %arg2[%dma_wait3A_106, %dma_wait3A_107] : memref<100000x1024xf32, #tpu.memory_space<hbm>> -> memref<100000x1024xf32, #tpu.memory_space<hbm>>
    tpu.wait_indirect_dma semaphore(%arg11 : memref<!tpu.dma_semaphore, #tpu.memory_space<semaphore_mem>>) src(%dma_wait3A_108 : memref<100000x1024xf32, #tpu.memory_space<hbm>>) dst(%dma_wait3A_103 : memref<40x1024xf32, #tpu.memory_space<vmem>>)
    %add3A_109 = arith.constant 80 : i32
    %add3A_110 = arith.addi %mul3A_2, %add3A_109 : i32
    %dma_start3A_111 = arith.constant 0 : i32
    %dma_start3A_112 = arith.constant 0 : i32
    %dma_start3A_113 = tpu.memref_slice %arg8[%dma_start3A_111, %dma_start3A_112] : memref<40x1024xf32, #tpu.memory_space<vmem>> -> memref<40x1024xf32, #tpu.memory_space<vmem>>
    %dma_start3A_114 = arith.constant 0 : i32
    %dma_start3A_115 = tpu.memref_slice %arg4[%add3A_110, %dma_start3A_114] : memref<8192x1024xf32, #tpu.memory_space<hbm>> -> memref<40x1024xf32, #tpu.memory_space<hbm>>
    %dma_start3A_116 = arith.constant 0 : i32
    %dma_start3A_117 = tpu.memref_slice %arg4[%add3A_110, %dma_start3A_116] : memref<8192x1024xf32, #tpu.memory_space<hbm>> -> memref<40x1024xf32, #tpu.memory_space<hbm>>
    %dma_start3A_118 = arith.constant 0 : i32
    %dma_start3A_119 = arith.constant 0 : i32
    %dma_start3A_120 = tpu.memref_slice %arg8[%dma_start3A_118, %dma_start3A_119] : memref<40x1024xf32, #tpu.memory_space<vmem>> -> memref<40x1024xf32, #tpu.memory_space<vmem>>
    tpu.enqueue_dma source(%dma_start3A_120 : memref<40x1024xf32, #tpu.memory_space<vmem>>) target(%dma_start3A_117 : memref<40x1024xf32, #tpu.memory_space<hbm>>) target_semaphore(%arg14 : memref<!tpu.dma_semaphore, #tpu.memory_space<semaphore_mem>>)
    %dma_wait3A_121 = arith.constant 0 : i32
    %dma_wait3A_122 = arith.constant 0 : i32
    %dma_wait3A_123 = tpu.memref_slice %arg8[%dma_wait3A_121, %dma_wait3A_122] : memref<40x1024xf32, #tpu.memory_space<vmem>> -> memref<40x1024xf32, #tpu.memory_space<vmem>>
    %dma_wait3A_124 = arith.constant 0 : i32
    %dma_wait3A_125 = tpu.memref_slice %arg4[%add3A_110, %dma_wait3A_124] : memref<8192x1024xf32, #tpu.memory_space<hbm>> -> memref<40x1024xf32, #tpu.memory_space<hbm>>
    %dma_wait3A_126 = arith.constant 0 : i32
    %dma_wait3A_127 = tpu.memref_slice %arg4[%add3A_110, %dma_wait3A_126] : memref<8192x1024xf32, #tpu.memory_space<hbm>> -> memref<40x1024xf32, #tpu.memory_space<hbm>>
    %dma_wait3A_128 = arith.constant 0 : i32
    %dma_wait3A_129 = arith.constant 0 : i32
    %dma_wait3A_130 = tpu.memref_slice %arg8[%dma_wait3A_128, %dma_wait3A_129] : memref<40x1024xf32, #tpu.memory_space<vmem>> -> memref<40x1024xf32, #tpu.memory_space<vmem>>
    tpu.wait_dma2 semaphore(%arg14 : memref<!tpu.dma_semaphore, #tpu.memory_space<semaphore_mem>>) src(%dma_wait3A_130 : memref<40x1024xf32, #tpu.memory_space<vmem>>) dst(%dma_wait3A_127 : memref<40x1024xf32, #tpu.memory_space<hbm>>)
    %dma_start3A_131 = arith.constant 0 : i32
    %dma_start3A_132 = arith.constant 0 : i32
    %dma_start3A_133 = tpu.memref_slice %arg8[%dma_start3A_131, %dma_start3A_132] : memref<40x1024xf32, #tpu.memory_space<vmem>> -> memref<40x1024xf32, #tpu.memory_space<vmem>>
    %dma_start3A_134 = arith.constant 200 : i32
    %dma_start3A_135 = tpu.memref_slice %arg5[%dma_start3A_134] : memref<256xi32, #tpu.memory_space<vmem>> -> memref<40xi32, #tpu.memory_space<vmem>>
    %dma_start3A_136 = arith.constant 0 : i32
    %dma_start3A_137 = arith.constant 0 : i32
    %dma_start3A_138 = tpu.memref_slice %arg2[%dma_start3A_136, %dma_start3A_137] : memref<100000x1024xf32, #tpu.memory_space<hbm>> -> memref<100000x1024xf32, #tpu.memory_space<hbm>>
    tpu.enqueue_indirect_dma source(%dma_start3A_138 : memref<100000x1024xf32, #tpu.memory_space<hbm>>) target(%dma_start3A_133 : memref<40x1024xf32, #tpu.memory_space<vmem>>) offsets(%dma_start3A_135 : memref<40xi32, #tpu.memory_space<vmem>>) semaphore(%arg11 : memref<!tpu.dma_semaphore, #tpu.memory_space<semaphore_mem>>)
    %dma_wait3A_139 = arith.constant 0 : i32
    %dma_wait3A_140 = arith.constant 0 : i32
    %dma_wait3A_141 = tpu.memref_slice %arg6[%dma_wait3A_139, %dma_wait3A_140] : memref<40x1024xf32, #tpu.memory_space<vmem>> -> memref<40x1024xf32, #tpu.memory_space<vmem>>
    %dma_wait3A_142 = arith.constant 120 : i32
    %dma_wait3A_143 = tpu.memref_slice %arg5[%dma_wait3A_142] : memref<256xi32, #tpu.memory_space<vmem>> -> memref<40xi32, #tpu.memory_space<vmem>>
    %dma_wait3A_144 = arith.constant 0 : i32
    %dma_wait3A_145 = arith.constant 0 : i32
    %dma_wait3A_146 = tpu.memref_slice %arg2[%dma_wait3A_144, %dma_wait3A_145] : memref<100000x1024xf32, #tpu.memory_space<hbm>> -> memref<100000x1024xf32, #tpu.memory_space<hbm>>
    tpu.wait_indirect_dma semaphore(%arg9 : memref<!tpu.dma_semaphore, #tpu.memory_space<semaphore_mem>>) src(%dma_wait3A_146 : memref<100000x1024xf32, #tpu.memory_space<hbm>>) dst(%dma_wait3A_141 : memref<40x1024xf32, #tpu.memory_space<vmem>>)
    %add3A_147 = arith.constant 120 : i32
    %add3A_148 = arith.addi %mul3A_2, %add3A_147 : i32
    %dma_start3A_149 = arith.constant 0 : i32
    %dma_start3A_150 = arith.constant 0 : i32
    %dma_start3A_151 = tpu.memref_slice %arg6[%dma_start3A_149, %dma_start3A_150] : memref<40x1024xf32, #tpu.memory_space<vmem>> -> memref<40x1024xf32, #tpu.memory_space<vmem>>
    %dma_start3A_152 = arith.constant 0 : i32
    %dma_start3A_153 = tpu.memref_slice %arg4[%add3A_148, %dma_start3A_152] : memref<8192x1024xf32, #tpu.memory_space<hbm>> -> memref<40x1024xf32, #tpu.memory_space<hbm>>
    %dma_start3A_154 = arith.constant 0 : i32
    %dma_start3A_155 = tpu.memref_slice %arg4[%add3A_148, %dma_start3A_154] : memref<8192x1024xf32, #tpu.memory_space<hbm>> -> memref<40x1024xf32, #tpu.memory_space<hbm>>
    %dma_start3A_156 = arith.constant 0 : i32
    %dma_start3A_157 = arith.constant 0 : i32
    %dma_start3A_158 = tpu.memref_slice %arg6[%dma_start3A_156, %dma_start3A_157] : memref<40x1024xf32, #tpu.memory_space<vmem>> -> memref<40x1024xf32, #tpu.memory_space<vmem>>
    tpu.enqueue_dma source(%dma_start3A_158 : memref<40x1024xf32, #tpu.memory_space<vmem>>) target(%dma_start3A_155 : memref<40x1024xf32, #tpu.memory_space<hbm>>) target_semaphore(%arg12 : memref<!tpu.dma_semaphore, #tpu.memory_space<semaphore_mem>>)
    %dma_wait3A_159 = arith.constant 0 : i32
    %dma_wait3A_160 = arith.constant 0 : i32
    %dma_wait3A_161 = tpu.memref_slice %arg6[%dma_wait3A_159, %dma_wait3A_160] : memref<40x1024xf32, #tpu.memory_space<vmem>> -> memref<40x1024xf32, #tpu.memory_space<vmem>>
    %dma_wait3A_162 = arith.constant 0 : i32
    %dma_wait3A_163 = tpu.memref_slice %arg4[%add3A_148, %dma_wait3A_162] : memref<8192x1024xf32, #tpu.memory_space<hbm>> -> memref<40x1024xf32, #tpu.memory_space<hbm>>
    %dma_wait3A_164 = arith.constant 0 : i32
    %dma_wait3A_165 = tpu.memref_slice %arg4[%add3A_148, %dma_wait3A_164] : memref<8192x1024xf32, #tpu.memory_space<hbm>> -> memref<40x1024xf32, #tpu.memory_space<hbm>>
    %dma_wait3A_166 = arith.constant 0 : i32
    %dma_wait3A_167 = arith.constant 0 : i32
    %dma_wait3A_168 = tpu.memref_slice %arg6[%dma_wait3A_166, %dma_wait3A_167] : memref<40x1024xf32, #tpu.memory_space<vmem>> -> memref<40x1024xf32, #tpu.memory_space<vmem>>
    tpu.wait_dma2 semaphore(%arg12 : memref<!tpu.dma_semaphore, #tpu.memory_space<semaphore_mem>>) src(%dma_wait3A_168 : memref<40x1024xf32, #tpu.memory_space<vmem>>) dst(%dma_wait3A_165 : memref<40x1024xf32, #tpu.memory_space<hbm>>)
    %dma_start3A_169 = arith.constant 0 : i32
    %dma_start3A_170 = arith.constant 0 : i32
    %dma_start3A_171 = tpu.memref_slice %arg6[%dma_start3A_169, %dma_start3A_170] : memref<40x1024xf32, #tpu.memory_space<vmem>> -> memref<16x1024xf32, #tpu.memory_space<vmem>>
    %dma_start3A_172 = arith.constant 240 : i32
    %dma_start3A_173 = tpu.memref_slice %arg5[%dma_start3A_172] : memref<256xi32, #tpu.memory_space<vmem>> -> memref<16xi32, #tpu.memory_space<vmem>>
    %dma_start3A_174 = arith.constant 0 : i32
    %dma_start3A_175 = arith.constant 0 : i32
    %dma_start3A_176 = tpu.memref_slice %arg2[%dma_start3A_174, %dma_start3A_175] : memref<100000x1024xf32, #tpu.memory_space<hbm>> -> memref<100000x1024xf32, #tpu.memory_space<hbm>>
    tpu.enqueue_indirect_dma source(%dma_start3A_176 : memref<100000x1024xf32, #tpu.memory_space<hbm>>) target(%dma_start3A_171 : memref<16x1024xf32, #tpu.memory_space<vmem>>) offsets(%dma_start3A_173 : memref<16xi32, #tpu.memory_space<vmem>>) semaphore(%arg9 : memref<!tpu.dma_semaphore, #tpu.memory_space<semaphore_mem>>)
    %dma_wait3A_177 = arith.constant 0 : i32
    %dma_wait3A_178 = arith.constant 0 : i32
    %dma_wait3A_179 = tpu.memref_slice %arg7[%dma_wait3A_177, %dma_wait3A_178] : memref<40x1024xf32, #tpu.memory_space<vmem>> -> memref<40x1024xf32, #tpu.memory_space<vmem>>
    %dma_wait3A_180 = arith.constant 160 : i32
    %dma_wait3A_181 = tpu.memref_slice %arg5[%dma_wait3A_180] : memref<256xi32, #tpu.memory_space<vmem>> -> memref<40xi32, #tpu.memory_space<vmem>>
    %dma_wait3A_182 = arith.constant 0 : i32
    %dma_wait3A_183 = arith.constant 0 : i32
    %dma_wait3A_184 = tpu.memref_slice %arg2[%dma_wait3A_182, %dma_wait3A_183] : memref<100000x1024xf32, #tpu.memory_space<hbm>> -> memref<100000x1024xf32, #tpu.memory_space<hbm>>
    tpu.wait_indirect_dma semaphore(%arg10 : memref<!tpu.dma_semaphore, #tpu.memory_space<semaphore_mem>>) src(%dma_wait3A_184 : memref<100000x1024xf32, #tpu.memory_space<hbm>>) dst(%dma_wait3A_179 : memref<40x1024xf32, #tpu.memory_space<vmem>>)
    %add3A_185 = arith.constant 160 : i32
    %add3A_186 = arith.addi %mul3A_2, %add3A_185 : i32
    %dma_start3A_187 = arith.constant 0 : i32
    %dma_start3A_188 = arith.constant 0 : i32
    %dma_start3A_189 = tpu.memref_slice %arg7[%dma_start3A_187, %dma_start3A_188] : memref<40x1024xf32, #tpu.memory_space<vmem>> -> memref<40x1024xf32, #tpu.memory_space<vmem>>
    %dma_start3A_190 = arith.constant 0 : i32
    %dma_start3A_191 = tpu.memref_slice %arg4[%add3A_186, %dma_start3A_190] : memref<8192x1024xf32, #tpu.memory_space<hbm>> -> memref<40x1024xf32, #tpu.memory_space<hbm>>
    %dma_start3A_192 = arith.constant 0 : i32
    %dma_start3A_193 = tpu.memref_slice %arg4[%add3A_186, %dma_start3A_192] : memref<8192x1024xf32, #tpu.memory_space<hbm>> -> memref<40x1024xf32, #tpu.memory_space<hbm>>
    %dma_start3A_194 = arith.constant 0 : i32
    %dma_start3A_195 = arith.constant 0 : i32
    %dma_start3A_196 = tpu.memref_slice %arg7[%dma_start3A_194, %dma_start3A_195] : memref<40x1024xf32, #tpu.memory_space<vmem>> -> memref<40x1024xf32, #tpu.memory_space<vmem>>
    tpu.enqueue_dma source(%dma_start3A_196 : memref<40x1024xf32, #tpu.memory_space<vmem>>) target(%dma_start3A_193 : memref<40x1024xf32, #tpu.memory_space<hbm>>) target_semaphore(%arg13 : memref<!tpu.dma_semaphore, #tpu.memory_space<semaphore_mem>>)
    %dma_wait3A_197 = arith.constant 0 : i32
    %dma_wait3A_198 = arith.constant 0 : i32
    %dma_wait3A_199 = tpu.memref_slice %arg8[%dma_wait3A_197, %dma_wait3A_198] : memref<40x1024xf32, #tpu.memory_space<vmem>> -> memref<40x1024xf32, #tpu.memory_space<vmem>>
    %dma_wait3A_200 = arith.constant 200 : i32
    %dma_wait3A_201 = tpu.memref_slice %arg5[%dma_wait3A_200] : memref<256xi32, #tpu.memory_space<vmem>> -> memref<40xi32, #tpu.memory_space<vmem>>
    %dma_wait3A_202 = arith.constant 0 : i32
    %dma_wait3A_203 = arith.constant 0 : i32
    %dma_wait3A_204 = tpu.memref_slice %arg2[%dma_wait3A_202, %dma_wait3A_203] : memref<100000x1024xf32, #tpu.memory_space<hbm>> -> memref<100000x1024xf32, #tpu.memory_space<hbm>>
    tpu.wait_indirect_dma semaphore(%arg11 : memref<!tpu.dma_semaphore, #tpu.memory_space<semaphore_mem>>) src(%dma_wait3A_204 : memref<100000x1024xf32, #tpu.memory_space<hbm>>) dst(%dma_wait3A_199 : memref<40x1024xf32, #tpu.memory_space<vmem>>)
    %add3A_205 = arith.constant 200 : i32
    %add3A_206 = arith.addi %mul3A_2, %add3A_205 : i32
    %dma_start3A_207 = arith.constant 0 : i32
    %dma_start3A_208 = arith.constant 0 : i32
    %dma_start3A_209 = tpu.memref_slice %arg8[%dma_start3A_207, %dma_start3A_208] : memref<40x1024xf32, #tpu.memory_space<vmem>> -> memref<40x1024xf32, #tpu.memory_space<vmem>>
    %dma_start3A_210 = arith.constant 0 : i32
    %dma_start3A_211 = tpu.memref_slice %arg4[%add3A_206, %dma_start3A_210] : memref<8192x1024xf32, #tpu.memory_space<hbm>> -> memref<40x1024xf32, #tpu.memory_space<hbm>>
    %dma_start3A_212 = arith.constant 0 : i32
    %dma_start3A_213 = tpu.memref_slice %arg4[%add3A_206, %dma_start3A_212] : memref<8192x1024xf32, #tpu.memory_space<hbm>> -> memref<40x1024xf32, #tpu.memory_space<hbm>>
    %dma_start3A_214 = arith.constant 0 : i32
    %dma_start3A_215 = arith.constant 0 : i32
    %dma_start3A_216 = tpu.memref_slice %arg8[%dma_start3A_214, %dma_start3A_215] : memref<40x1024xf32, #tpu.memory_space<vmem>> -> memref<40x1024xf32, #tpu.memory_space<vmem>>
    tpu.enqueue_dma source(%dma_start3A_216 : memref<40x1024xf32, #tpu.memory_space<vmem>>) target(%dma_start3A_213 : memref<40x1024xf32, #tpu.memory_space<hbm>>) target_semaphore(%arg14 : memref<!tpu.dma_semaphore, #tpu.memory_space<semaphore_mem>>)
    %dma_wait3A_217 = arith.constant 0 : i32
    %dma_wait3A_218 = arith.constant 0 : i32
    %dma_wait3A_219 = tpu.memref_slice %arg6[%dma_wait3A_217, %dma_wait3A_218] : memref<40x1024xf32, #tpu.memory_space<vmem>> -> memref<16x1024xf32, #tpu.memory_space<vmem>>
    %dma_wait3A_220 = arith.constant 240 : i32
    %dma_wait3A_221 = tpu.memref_slice %arg5[%dma_wait3A_220] : memref<256xi32, #tpu.memory_space<vmem>> -> memref<16xi32, #tpu.memory_space<vmem>>
    %dma_wait3A_222 = arith.constant 0 : i32
    %dma_wait3A_223 = arith.constant 0 : i32
    %dma_wait3A_224 = tpu.memref_slice %arg2[%dma_wait3A_222, %dma_wait3A_223] : memref<100000x1024xf32, #tpu.memory_space<hbm>> -> memref<100000x1024xf32, #tpu.memory_space<hbm>>
    tpu.wait_indirect_dma semaphore(%arg9 : memref<!tpu.dma_semaphore, #tpu.memory_space<semaphore_mem>>) src(%dma_wait3A_224 : memref<100000x1024xf32, #tpu.memory_space<hbm>>) dst(%dma_wait3A_219 : memref<16x1024xf32, #tpu.memory_space<vmem>>)
    %add3A_225 = arith.constant 240 : i32
    %add3A_226 = arith.addi %mul3A_2, %add3A_225 : i32
    %dma_start3A_227 = arith.constant 0 : i32
    %dma_start3A_228 = arith.constant 0 : i32
    %dma_start3A_229 = tpu.memref_slice %arg6[%dma_start3A_227, %dma_start3A_228] : memref<40x1024xf32, #tpu.memory_space<vmem>> -> memref<16x1024xf32, #tpu.memory_space<vmem>>
    %dma_start3A_230 = arith.constant 0 : i32
    %dma_start3A_231 = tpu.memref_slice %arg4[%add3A_226, %dma_start3A_230] : memref<8192x1024xf32, #tpu.memory_space<hbm>> -> memref<16x1024xf32, #tpu.memory_space<hbm>>
    %dma_start3A_232 = arith.constant 0 : i32
    %dma_start3A_233 = tpu.memref_slice %arg4[%add3A_226, %dma_start3A_232] : memref<8192x1024xf32, #tpu.memory_space<hbm>> -> memref<16x1024xf32, #tpu.memory_space<hbm>>
    %dma_start3A_234 = arith.constant 0 : i32
    %dma_start3A_235 = arith.constant 0 : i32
    %dma_start3A_236 = tpu.memref_slice %arg6[%dma_start3A_234, %dma_start3A_235] : memref<40x1024xf32, #tpu.memory_space<vmem>> -> memref<16x1024xf32, #tpu.memory_space<vmem>>
    tpu.enqueue_dma source(%dma_start3A_236 : memref<16x1024xf32, #tpu.memory_space<vmem>>) target(%dma_start3A_233 : memref<16x1024xf32, #tpu.memory_space<hbm>>) target_semaphore(%arg12 : memref<!tpu.dma_semaphore, #tpu.memory_space<semaphore_mem>>)
    %dma_wait3A_237 = arith.constant 0 : i32
    %dma_wait3A_238 = arith.constant 0 : i32
    %dma_wait3A_239 = tpu.memref_slice %arg7[%dma_wait3A_237, %dma_wait3A_238] : memref<40x1024xf32, #tpu.memory_space<vmem>> -> memref<40x1024xf32, #tpu.memory_space<vmem>>
    %dma_wait3A_240 = arith.constant 0 : i32
    %dma_wait3A_241 = tpu.memref_slice %arg4[%add3A_186, %dma_wait3A_240] : memref<8192x1024xf32, #tpu.memory_space<hbm>> -> memref<40x1024xf32, #tpu.memory_space<hbm>>
    %dma_wait3A_242 = arith.constant 0 : i32
    %dma_wait3A_243 = tpu.memref_slice %arg4[%add3A_186, %dma_wait3A_242] : memref<8192x1024xf32, #tpu.memory_space<hbm>> -> memref<40x1024xf32, #tpu.memory_space<hbm>>
    %dma_wait3A_244 = arith.constant 0 : i32
    %dma_wait3A_245 = arith.constant 0 : i32
    %dma_wait3A_246 = tpu.memref_slice %arg7[%dma_wait3A_244, %dma_wait3A_245] : memref<40x1024xf32, #tpu.memory_space<vmem>> -> memref<40x1024xf32, #tpu.memory_space<vmem>>
    tpu.wait_dma2 semaphore(%arg13 : memref<!tpu.dma_semaphore, #tpu.memory_space<semaphore_mem>>) src(%dma_wait3A_246 : memref<40x1024xf32, #tpu.memory_space<vmem>>) dst(%dma_wait3A_243 : memref<40x1024xf32, #tpu.memory_space<hbm>>)
    %dma_wait3A_247 = arith.constant 0 : i32
    %dma_wait3A_248 = arith.constant 0 : i32
    %dma_wait3A_249 = tpu.memref_slice %arg8[%dma_wait3A_247, %dma_wait3A_248] : memref<40x1024xf32, #tpu.memory_space<vmem>> -> memref<40x1024xf32, #tpu.memory_space<vmem>>
    %dma_wait3A_250 = arith.constant 0 : i32
    %dma_wait3A_251 = tpu.memref_slice %arg4[%add3A_206, %dma_wait3A_250] : memref<8192x1024xf32, #tpu.memory_space<hbm>> -> memref<40x1024xf32, #tpu.memory_space<hbm>>
    %dma_wait3A_252 = arith.constant 0 : i32
    %dma_wait3A_253 = tpu.memref_slice %arg4[%add3A_206, %dma_wait3A_252] : memref<8192x1024xf32, #tpu.memory_space<hbm>> -> memref<40x1024xf32, #tpu.memory_space<hbm>>
    %dma_wait3A_254 = arith.constant 0 : i32
    %dma_wait3A_255 = arith.constant 0 : i32
    %dma_wait3A_256 = tpu.memref_slice %arg8[%dma_wait3A_254, %dma_wait3A_255] : memref<40x1024xf32, #tpu.memory_space<vmem>> -> memref<40x1024xf32, #tpu.memory_space<vmem>>
    tpu.wait_dma2 semaphore(%arg14 : memref<!tpu.dma_semaphore, #tpu.memory_space<semaphore_mem>>) src(%dma_wait3A_256 : memref<40x1024xf32, #tpu.memory_space<vmem>>) dst(%dma_wait3A_253 : memref<40x1024xf32, #tpu.memory_space<hbm>>)
    %dma_wait3A_257 = arith.constant 0 : i32
    %dma_wait3A_258 = arith.constant 0 : i32
    %dma_wait3A_259 = tpu.memref_slice %arg6[%dma_wait3A_257, %dma_wait3A_258] : memref<40x1024xf32, #tpu.memory_space<vmem>> -> memref<16x1024xf32, #tpu.memory_space<vmem>>
    %dma_wait3A_260 = arith.constant 0 : i32
    %dma_wait3A_261 = tpu.memref_slice %arg4[%add3A_226, %dma_wait3A_260] : memref<8192x1024xf32, #tpu.memory_space<hbm>> -> memref<16x1024xf32, #tpu.memory_space<hbm>>
    %dma_wait3A_262 = arith.constant 0 : i32
    %dma_wait3A_263 = tpu.memref_slice %arg4[%add3A_226, %dma_wait3A_262] : memref<8192x1024xf32, #tpu.memory_space<hbm>> -> memref<16x1024xf32, #tpu.memory_space<hbm>>
    %dma_wait3A_264 = arith.constant 0 : i32
    %dma_wait3A_265 = arith.constant 0 : i32
    %dma_wait3A_266 = tpu.memref_slice %arg6[%dma_wait3A_264, %dma_wait3A_265] : memref<40x1024xf32, #tpu.memory_space<vmem>> -> memref<16x1024xf32, #tpu.memory_space<vmem>>
    tpu.wait_dma2 semaphore(%arg12 : memref<!tpu.dma_semaphore, #tpu.memory_space<semaphore_mem>>) src(%dma_wait3A_266 : memref<16x1024xf32, #tpu.memory_space<vmem>>) dst(%dma_wait3A_263 : memref<16x1024xf32, #tpu.memory_space<hbm>>)
    return
  }
}

module attributes {stable_mosaic.version = 14 : i64} {
  func.func @_idx_body(%arg0: i32, %arg1: memref<1x2048x1024xf32, #tpu.memory_space<vmem>>, %arg2: memref<2x4096xi32, #tpu.memory_space<vmem>>, %arg3: memref<2048xi32, #tpu.memory_space<vmem>>) attributes {dimension_semantics = [#tpu.dimension_semantics<arbitrary>], iteration_bounds = array<i64: 4>, scalar_prefetch = 0 : i64, scratch_operands = 0 : i64, tpu.core_type = #tpu.core_type<tc>, window_params = [{transform_indices = @transform_0, window_bounds = array<i64: 1, 2048, 1024>}, {pipeline_mode = #tpu.pipeline_mode<synchronous>, transform_indices = @transform_1, window_bounds = array<i64: 2, 4096>}, {transform_indices = @transform_2, window_bounds = array<i64: 2048>}]} {
    %get3A = arith.constant 0 : index
    %get3A_0 = arith.constant 0 : index
    %get3A_1 = arith.constant 0 : index
    %get3A_2 = vector.load %arg1[%get3A, %get3A_0, %get3A_1] : memref<1x2048x1024xf32, #tpu.memory_space<vmem>>, vector<1x2048x1024xf32>
    %get3A_3 = vector.shape_cast %get3A_2 : vector<1x2048x1024xf32> to vector<2048x1024xf32>
    %reduce_sum3A = arith.constant dense<0.000000e+00> : vector<2048xf32>
    %reduce_sum3A_4 = vector.multi_reduction <add>, %get3A_3, %reduce_sum3A [1] : vector<2048x1024xf32> to vector<2048xf32>
    %abs3A = math.absf %reduce_sum3A_4 : vector<2048xf32>
    %convert_element_type3A = arith.fptosi %abs3A : vector<2048xf32> to vector<2048xi32>
    %jit3A = arith.constant 10000 : i32
    %eq3A = arith.constant 0 : i32
    %eq3A_5 = arith.cmpi eq, %jit3A, %eq3A : i32
    %jit3A_6 = arith.constant 1 : i32
    %select_n3A = arith.select %eq3A_5, %jit3A_6, %jit3A : i32
    %rem3A = vector.broadcast %select_n3A : i32 to vector<2048xi32>
    %rem3A_7 = arith.remsi %convert_element_type3A, %rem3A : vector<2048xi32>
    %ne3A = arith.constant 0 : i32
    %ne3A_8 = vector.broadcast %ne3A : i32 to vector<2048xi32>
    %ne3A_9 = arith.cmpi ne, %rem3A_7, %ne3A_8 : vector<2048xi32>
    %lt3A = arith.constant 0 : i32
    %lt3A_10 = vector.broadcast %lt3A : i32 to vector<2048xi32>
    %lt3A_11 = arith.cmpi slt, %rem3A_7, %lt3A_10 : vector<2048xi32>
    %lt3A_12 = arith.constant 0 : i32
    %lt3A_13 = arith.cmpi slt, %select_n3A, %lt3A_12 : i32
    %ne3A_14 = vector.broadcast %lt3A_13 : i1 to vector<2048xi1>
    %ne3A_15 = vector.broadcast %ne3A_14 : vector<2048xi1> to vector<2048xi1>
    %ne3A_16 = arith.xori %lt3A_11, %ne3A_15 : vector<2048xi1>
    %and3A = arith.andi %ne3A_16, %ne3A_9 : vector<2048xi1>
    %add3A = vector.broadcast %select_n3A : i32 to vector<2048xi32>
    %add3A_17 = arith.addi %rem3A_7, %add3A : vector<2048xi32>
    %select_n3A_18 = arith.select %and3A, %add3A_17, %rem3A_7 : vector<2048xi1>, vector<2048xi32>
    %jit3A_19 = arith.constant 2 : i32
    %div3A = arith.divsi %arg0, %jit3A_19 : i32
    %sign3A = arith.constant 0 : i32
    %sign3A_20 = arith.cmpi sgt, %arg0, %sign3A : i32
    %sign3A_21 = arith.extui %sign3A_20 : i1 to i32
    %sign3A_22 = arith.constant 0 : i32
    %sign3A_23 = arith.cmpi slt, %arg0, %sign3A_22 : i32
    %sign3A_24 = arith.extui %sign3A_23 : i1 to i32
    %sign3A_25 = arith.subi %sign3A_21, %sign3A_24 : i32
    %sign3A_26 = arith.constant 0 : i32
    %sign3A_27 = arith.cmpi sgt, %jit3A_19, %sign3A_26 : i32
    %sign3A_28 = arith.extui %sign3A_27 : i1 to i32
    %sign3A_29 = arith.constant 0 : i32
    %sign3A_30 = arith.cmpi slt, %jit3A_19, %sign3A_29 : i32
    %sign3A_31 = arith.extui %sign3A_30 : i1 to i32
    %sign3A_32 = arith.subi %sign3A_28, %sign3A_31 : i32
    %ne3A_33 = arith.cmpi ne, %sign3A_25, %sign3A_32 : i32
    %rem3A_34 = arith.remsi %arg0, %jit3A_19 : i32
    %ne3A_35 = arith.constant 0 : i32
    %ne3A_36 = arith.cmpi ne, %rem3A_34, %ne3A_35 : i32
    %and3A_37 = arith.andi %ne3A_33, %ne3A_36 : i1
    %sub3A = arith.constant 1 : i32
    %sub3A_38 = arith.subi %div3A, %sub3A : i32
    %select_n3A_39 = arith.select %and3A_37, %sub3A_38, %div3A : i32
    %jit3A_40 = arith.constant 2 : i32
    %eq3A_41 = arith.constant 0 : i32
    %eq3A_42 = arith.cmpi eq, %jit3A_40, %eq3A_41 : i32
    %jit3A_43 = arith.constant 1 : i32
    %select_n3A_44 = arith.select %eq3A_42, %jit3A_43, %jit3A_40 : i32
    %rem3A_45 = arith.remsi %arg0, %select_n3A_44 : i32
    %ne3A_46 = arith.constant 0 : i32
    %ne3A_47 = arith.cmpi ne, %rem3A_45, %ne3A_46 : i32
    %lt3A_48 = arith.constant 0 : i32
    %lt3A_49 = arith.cmpi slt, %rem3A_45, %lt3A_48 : i32
    %lt3A_50 = arith.constant 0 : i32
    %lt3A_51 = arith.cmpi slt, %select_n3A_44, %lt3A_50 : i32
    %ne3A_52 = arith.xori %lt3A_49, %lt3A_51 : i1
    %and3A_53 = arith.andi %ne3A_52, %ne3A_47 : i1
    %add3A_54 = arith.addi %rem3A_45, %select_n3A_44 : i32
    %select_n3A_55 = arith.select %and3A_53, %add3A_54, %rem3A_45 : i32
    %mul3A = arith.constant 2048 : i32
    %mul3A_56 = arith.muli %select_n3A_55, %mul3A : i32
    %get3A_57 = arith.index_cast %select_n3A_39 : i32 to index
    %get3A_58 = arith.index_cast %mul3A_56 : i32 to index
    %get3A_59 = vector.load %arg2[%get3A_57, %get3A_58] : memref<2x4096xi32, #tpu.memory_space<vmem>>, vector<1x2048xi32>
    %get3A_60 = vector.shape_cast %get3A_59 : vector<1x2048xi32> to vector<2048xi32>
    %mul3A_61 = arith.constant 10000 : i32
    %mul3A_62 = vector.broadcast %mul3A_61 : i32 to vector<2048xi32>
    %mul3A_63 = arith.muli %get3A_60, %mul3A_62 : vector<2048xi32>
    %add3A_64 = arith.addi %mul3A_63, %select_n3A_18 : vector<2048xi32>
    %swap3A = arith.constant 0 : index
    %swap3A_65 = vector.load %arg3[%swap3A] : memref<2048xi32, #tpu.memory_space<vmem>>, vector<2048xi32>
    tpu.vector_store %arg3[%swap3A], %add3A_64 {strides = array<i32>} : memref<2048xi32, #tpu.memory_space<vmem>>, vector<2048xi32>,
    return
  }
  func.func @transform_0(%arg0: i32) -> (i32, i32, i32) {
    %jit3A = arith.constant 2 : i32
    %div3A = arith.divsi %arg0, %jit3A : i32
    %sign3A = arith.constant 0 : i32
    %sign3A_0 = arith.cmpi sgt, %arg0, %sign3A : i32
    %sign3A_1 = arith.extui %sign3A_0 : i1 to i32
    %sign3A_2 = arith.constant 0 : i32
    %sign3A_3 = arith.cmpi slt, %arg0, %sign3A_2 : i32
    %sign3A_4 = arith.extui %sign3A_3 : i1 to i32
    %sign3A_5 = arith.subi %sign3A_1, %sign3A_4 : i32
    %sign3A_6 = arith.constant 0 : i32
    %sign3A_7 = arith.cmpi sgt, %jit3A, %sign3A_6 : i32
    %sign3A_8 = arith.extui %sign3A_7 : i1 to i32
    %sign3A_9 = arith.constant 0 : i32
    %sign3A_10 = arith.cmpi slt, %jit3A, %sign3A_9 : i32
    %sign3A_11 = arith.extui %sign3A_10 : i1 to i32
    %sign3A_12 = arith.subi %sign3A_8, %sign3A_11 : i32
    %ne3A = arith.cmpi ne, %sign3A_5, %sign3A_12 : i32
    %rem3A = arith.remsi %arg0, %jit3A : i32
    %ne3A_13 = arith.constant 0 : i32
    %ne3A_14 = arith.cmpi ne, %rem3A, %ne3A_13 : i32
    %and3A = arith.andi %ne3A, %ne3A_14 : i1
    %sub3A = arith.constant 1 : i32
    %sub3A_15 = arith.subi %div3A, %sub3A : i32
    %select_n3A = arith.select %and3A, %sub3A_15, %div3A : i32
    %jit3A_16 = arith.constant 2 : i32
    %eq3A = arith.constant 0 : i32
    %eq3A_17 = arith.cmpi eq, %jit3A_16, %eq3A : i32
    %jit3A_18 = arith.constant 1 : i32
    %select_n3A_19 = arith.select %eq3A_17, %jit3A_18, %jit3A_16 : i32
    %rem3A_20 = arith.remsi %arg0, %select_n3A_19 : i32
    %ne3A_21 = arith.constant 0 : i32
    %ne3A_22 = arith.cmpi ne, %rem3A_20, %ne3A_21 : i32
    %lt3A = arith.constant 0 : i32
    %lt3A_23 = arith.cmpi slt, %rem3A_20, %lt3A : i32
    %lt3A_24 = arith.constant 0 : i32
    %lt3A_25 = arith.cmpi slt, %select_n3A_19, %lt3A_24 : i32
    %ne3A_26 = arith.xori %lt3A_23, %lt3A_25 : i1
    %and3A_27 = arith.andi %ne3A_26, %ne3A_22 : i1
    %add3A = arith.addi %rem3A_20, %select_n3A_19 : i32
    %select_n3A_28 = arith.select %and3A_27, %add3A, %rem3A_20 : i32
    %c0_i32 = arith.constant 0 : i32
    %c0_i32_29 = arith.constant 0 : i32
    return %select_n3A, %select_n3A_28, %c0_i32 : i32, i32, i32
  }
  func.func @transform_1(%arg0: i32) -> (i32, i32) {
    %c0_i32 = arith.constant 0 : i32
    %c0_i32_0 = arith.constant 0 : i32
    %c0_i32_1 = arith.constant 0 : i32
    return %c0_i32, %c0_i32_0 : i32, i32
  }
  func.func @transform_2(%arg0: i32) -> i32 {
    %c0_i32 = arith.constant 0 : i32
    return %arg0 : i32
  }
}

</mosaic_0001>

<sc_bundles>
// kernel: kernel.4.cloned.1.call-start
scs
__scs_entry_jumppad:
0x0: {  	(pc) =	sbr.rel $0x88, $3  }
0x1: {  	(tag) =	ssettag $0x0;
	lr =	simm.s32 $0x1  }
0x2: {  	[smem:$0x3F9E] =	sst lr;
	_ =	strace $0xD0000000  }
0x3: {  	_ = 	snop  }
0x4: {  	_ = 	snop  }
0x5: {  	_ = 	snop  }
0x6: {  	_ = 	snop  }
0x7: {  	_ = 	snop  }
__scs_overlays_trampoline_lowered:
0x8: {  	[smem:$0x3FAD] =	sst s0  }
0x9: {  	[smem:$0x3FAE] =	sst s1  }
0xa: {  	[smem:$0x3FAF] =	sst s2  }
0xb: {  	[smem:$0x3FB0] =	sst s3  }
0xc: {  	[smem:$0x3FB1] =	sst s4  }
0xd: {  	[smem:$0x3FB2] =	sst s5  }
0xe: {  	[smem:$0x3FB3] =	sst s6  }
0xf: {  	[smem:$0x3FB4] =	sst s7  }
0x10: {  	[smem:$0x3FB5] =	sst s8  }
0x11: {  	[smem:$0x3FB6] =	sst s9;
	s0 =	simm.s32 @!p0 $0x0  }
0x12: {  	s1 =	sld [smem:$0x3F9C];
	s0 =	simm.s32 @p0 $0x1  }
0x13: {  	[smem:$0x3FB7] =	sst s0;
	s0 =	simm.s32 @!p1 $0x0  }
0x14: {  	s2 =	sld [smem:$0x3F9B];
	s0 =	simm.s32 @p1 $0x1  }
0x15: {  	[smem:$0x3FB8] =	sst s0;
	s0 =	simm.s32 @!p2 $0x0  }
0x16: {  	s3 =	sld [smem:$0x3FDB];
	s0 =	simm.s32 @p2 $0x1  }
0x17: {  	s4 =	simm.s32 $0x1BF5;
	[smem:$0x3FBA] =	sst s0  }
0x18: {  	s0 =	sld [smem:$0x3F9D];
	_ =	swait.ge [sflag:s4], $0x0  }
0x19: {  	s7 =	sld [smem:$0x3F9E]  }
0x1a: {  	s8 =	sadd.s32 $0xFFFFE003, lr  }
0x1b: {  	s9 =	sadd.s32 $0xFFFFFEF7, lr;
	s5 =	simm.s32 $0xFFFFFFFF;
	p2 =	slt.u32 s8, $0xFFFFF086  }
0x1c: {  	p1 =	slt.u32 s9, $0xF7A;
	s5 =	simm.s32 @!p2 $0x0  }
0x1d: {  	s5 =	simm.s32 @p1 $0x1;
	p0 =	seq.s32 s7, s2  }
0x1e: {  	s7 =	smul.u32 @!p0 $0xF7A, s2;
	p2 =	seq.s32 @!p0 s5, $0x0  }
0x1f: {  	s9 =	smul.u32 $0xF7A, s1;
	s8 =	simm.s32 @!p0 $0x1BF5;
	p2 =	por !p2, p0  }
0x20: {  	[sflag:s8] =	ssyncset.s32 @!p0 $0xFFFFF086;
	s6 =	sadd.s32 @!p0 s3, s7;
	s7 =	simm.s32 @!p0 $0x108  }
0x21: {  	s3 =	sadd.s32 s3, s9;
	s6 =	sadd.s32 @!p0 $0x88, s6;
	s7 =	simm.s32 @p2 $0x1082  }
0x22: {  	[simem:s7], [sflag:s8] =	dma.local @!p0 [hbm:s6], $0xF7A  }
0x23: {  	s9 =	sor.u32 $0xD0000000, s2;
	s6 =	simm.s32 $0x108;
	_ =	swait.ge @!p0 [sflag:s8], $0x0  }
0x24: {  	s3 =	sadd.s32 $0x88, s3;
	s6 =	simm.s32 @!p1 $0x1082;
	[sflag:s4] =	ssyncset.s32 $0xFFFFF086  }
0x25: {  	[simem:s6], [sflag:s4] =	dma.local [hbm:s3], $0xF7A  }
0x26: {  	[smem:$0x3F9E] =	sst s1;
	(tag) =	ssettag s2;
	_ =	strace s9  }
0x27: {  	s1 =	sld [smem:$0x3FAE]  }
0x28: {  	s2 =	sld [smem:$0x3FAF]  }
0x29: {  	s4 =	sld [smem:$0x3FB1]  }
0x2a: {  	p0 =	seq.s32 s5, $0x0;
	s5 =	sld [smem:$0x3FB2]  }
0x2b: {  	s6 =	sld [smem:$0x3FB3]  }
0x2c: {  	s7 =	sld [smem:$0x3FB4]  }
0x2d: {  	s3 =	simm.s32 $0x108;
	s8 =	sld [smem:$0x3FB5]  }
0x2e: {  	s3 =	simm.s32 @!p0 $0x1082;
	s9 =	sld [smem:$0x3FB6]  }
0x2f: {  	lr =	sadd.s32 s0, s3;
	s0 =	sld [smem:$0x3FAD]  }
0x30: {  	s3 =	sld [smem:$0x3FB0]  }
0x31: {  	[smem:$0x3FB9] =	sst s10  }
0x32: {  	s10 =	sld [smem:$0x3FB7];
	_ =	sdelay $0x3  }
0x33: {  	p0 =	seq.s32 s10, $0x1;
	s10 =	sld [smem:$0x3FB9];
	_ =	sdelay $0x3  }
0x34: {  	[smem:$0x3FB9] =	sst s10  }
0x35: {  	s10 =	sld [smem:$0x3FB8];
	_ =	sdelay $0x3  }
0x36: {  	p1 =	seq.s32 s10, $0x1;
	s10 =	sld [smem:$0x3FB9];
	_ =	sdelay $0x3  }
0x37: {  	[smem:$0x3FB9] =	sst s10  }
0x38: {  	s10 =	sld [smem:$0x3FBA]  }
0x39: {  	_ = 	snop;
	(pc) =	sbr.ind lr, $3  }
0x3a: {  	_ = 	snop  }
0x3b: {  	_ = 	snop  }
0x3c: {  	p2 =	seq.s32 s10, $0x1;
	s10 =	sld [smem:$0x3FB9]  }
0x3d: {  	_ =	shalt  }
0x3e: {  	_ =	shalt  }
0x3f: {  	_ =	shalt  }
0x40: {  	_ =	shalt  }
0x41: {  	_ =	shalt  }
0x42: {  	_ =	shalt  }
0x43: {  	_ =	shalt  }
0x44: {  	_ =	shalt  }
0x45: {  	_ =	shalt  }
0x46: {  	_ =	shalt  }
0x47: {  	_ =	shalt  }
0x48: {  	_ =	shalt  }
0x49: {  	_ =	shalt  }
0x4a: {  	_ =	shalt  }
0x4b: {  	_ =	shalt  }
0x4c: {  	_ =	shalt  }
0x4d: {  	_ =	shalt  }
0x4e: {  	_ =	shalt  }
0x4f: {  	_ =	shalt  }
0x50: {  	_ =	shalt  }
0x51: {  	_ =	shalt  }
0x52: {  	_ =	shalt  }
0x53: {  	_ =	shalt  }
0x54: {  	_ =	shalt  }
0x55: {  	_ =	shalt  }
0x56: {  	_ =	shalt  }
0x57: {  	_ =	shalt  }
0x58: {  	_ =	shalt  }
0x59: {  	_ =	shalt  }
0x5a: {  	_ =	shalt  }
0x5b: {  	_ =	shalt  }
0x5c: {  	_ =	shalt  }
0x5d: {  	_ =	shalt  }
0x5e: {  	_ =	shalt  }
0x5f: {  	_ =	shalt  }
0x60: {  	_ =	shalt  }
0x61: {  	_ =	shalt  }
0x62: {  	_ =	shalt  }
0x63: {  	_ =	shalt  }
0x64: {  	_ =	shalt  }
0x65: {  	_ =	shalt  }
0x66: {  	_ =	shalt  }
0x67: {  	_ =	shalt  }
0x68: {  	_ =	shalt  }
0x69: {  	_ =	shalt  }
0x6a: {  	_ =	shalt  }
0x6b: {  	_ =	shalt  }
0x6c: {  	_ =	shalt  }
0x6d: {  	_ =	shalt  }
0x6e: {  	_ =	shalt  }
0x6f: {  	_ =	shalt  }
0x70: {  	_ =	shalt  }
0x71: {  	_ =	shalt  }
0x72: {  	_ =	shalt  }
0x73: {  	_ =	shalt  }
0x74: {  	_ =	shalt  }
0x75: {  	_ =	shalt  }
0x76: {  	_ =	shalt  }
0x77: {  	_ =	shalt  }
0x78: {  	_ =	shalt  }
0x79: {  	_ =	shalt  }
0x7a: {  	_ =	shalt  }
0x7b: {  	_ =	shalt  }
0x7c: {  	_ =	shalt  }
0x7d: {  	_ =	shalt  }
0x7e: {  	_ =	shalt  }
0x7f: {  	_ =	shalt  }
0x80: {  	_ =	shalt  }
0x81: {  	_ =	shalt  }
0x82: {  	_ =	shalt  }
0x83: {  	_ =	shalt  }
0x84: {  	_ =	shalt  }
0x85: {  	_ =	shalt  }
0x86: {  	_ =	shalt  }
0x87: {  	_ =	shalt  }
.Lfunc_end0:
.L_simem_size_0:
called_computation_lowered:
.L_overlay_start_0:
0x88: {  	s2 =	sld [smem:$0x3FD9]  }
0x89: {  	s3 =	sld [smem:$0x3FFE];
	_ =	sdelay $0x1  }
0x8a: {  	s1 =	srdreg.scid  }
0x8b: {  	s0 =	sand.u32 $0x1, s1  }
0x8c: {  	s17 =	sshll.u32 s0, $0xA;
	s2 =	sadd.s32 s3, s2  }
0x8d: {  	s2 =	sadd.s32 s2, s17  }
0x8e: {  	[smem:$0x3FC5] =	sst s2  }
0x8f: {  	_ = 	snop  }
0x90: {  	s2 =	sld [smem:$0x3FC7]  }
0x91: {  	s18 =	sld [smem:$0x3FD0];
	(tm) =	ssettm $0x1  }
0x92: {  	s4 =	sld [smem:$0x3FFB];
	_ =	sdelay $0x3  }
0x93: {  	_ =	strace s4  }
0x94: {  	s4 =	sld [smem:$0x3FFC];
	_ =	sdelay $0x3  }
0x95: {  	_ =	strace s4  }
0x96: {  	s4 =	sld [smem:$0x3FFD];
	_ =	sdelay $0x3  }
0x97: {  	_ =	strace s4  }
0x98: {  	_ =	strace $0x8FFFFFFF  }
0x99: {  	s19 =	sld [smem:$0x3FDB];
	_ =	sdelay $0x1  }
0x9a: {  	s5 =	simm.s32 $_scs_section_size  }
0x9b: {  	s6 =	simm.s32 $_size__tile_overlayer_lowered;
	s7 =	simm.s32 $_tile_overlayer_lowered  }
0x9c: {  	s22 =	simm.s32 $0x1BFF;
	s21 =	sshll.u32 s7, $0x1;
	s4 =	sadd.s32 s5, s19  }
0x9d: {  	s8 =	simm.s32 $0x0;
	s20 =	sshll.u32 s6, $0x1;
	s6 =	sadd.s32 s21, s4  }
0x9e: {  	[timem:s8], [sflag:s22] =	dma.local [hbm:s6], s20  }
0x9f: {  	_ =	swait.ge [sflag:s22], s20  }
0xa0: {  	s5 =	ssub.s32 $0x0, s20;
	[sflag:s22] =	ssyncset.done $0x0  }
0xa1: {  	[sflag:s22] =	ssyncadd.s32 s5;
	_ =	sdelay $0x1  }
0xa2: {  	s23 =	simm.s32 $0x1B8B  }
0xa3: {  	_ =	swait.ge [sflag:s23], $0x1  }
0xa4: {  	[sflag:s23] =	ssyncset.done $0x0  }
0xa5: {  	s25 =	simm.s32 $0x1B8E;
	s24 =	sld [smem:$0x3FFE];
	[sflag:s23] =	ssyncadd.s32 $0xFFFFFFFF  }
0xa6: {  	s26 =	simm.s32 $execute0_lowered;
	[smem:$0x3FD2] =	sst s25  }
0xa7: {  	s6 =	sshll.u32 s26, $0x1;
	_ =	strace $0x80000046;
	[dreg:$0x1] =	wrdreg $0xFFFFFFFF  }
0xa8: {  	s28 =	simm.s32 $_size_execute0_lowered;
	s4 =	sadd.s32 s4, s6;
	[dreg:$0x0] =	wrdreg $0x0  }
0xa9: {  	s6 =	sshll.u32 s28, $0x1;
	[dreg:$0x2] =	wrdreg s4  }
0xaa: {  	[dreg:$0x3] =	wrdreg s6  }
0xab: {  	[dreg:$0x4] =	wrdreg $0xC0  }
0xac: {  	_ =	task [dreg:s8], $0x5FFFF  }
0xad: {  	[dreg:$0x1] =	wrdreg $0xFFFFFFFF  }
0xae: {  	[dreg:$0x0] =	wrdreg $0x60  }
0xaf: {  	[dreg:$0x2] =	wrdreg s2  }
0xb0: {  	[dreg:$0x3] =	wrdreg s24  }
0xb1: {  	[dreg:$0x4] =	wrdreg s18  }
0xb2: {  	[dreg:$0x5] =	wrdreg $0x9  }
0xb3: {  	_ =	task.clear_ibuf [dreg:s8], $0x6FFFF;
	_ =	strace $0x90000046  }
0xb4: {  	s29 =	simm.s32 $0x9;
	_ =	strace $0x80000048  }
0xb5: {  	_ =	swait.ge [sflag:s29], $0x1  }
0xb6: {  	[sflag:s29] =	ssyncadd.s32 $0xFFFFFFFF  }
0xb7: {  	_ =	strace $0x90000048  }
0xb8: {  	_ =	sfence  }
0xb9: {  	s30 =	sld [smem:$0x0];
	_ =	sdelay $0x2  }
0xba: {  	s31 =	sshll.u32 s1, $0xD;
	s1 =	sshrl.u32 s1, $0x2  }
0xbb: {  	s3 =	sand.u32 $0x4000, s31;
	s1 =	sadd.s32 s1, s30  }
0xbc: {  	s0 =	sor.u32 s3, s0;
	s1 =	sshll.u32 s1, $0x11  }
0xbd: {  	s0 =	sor.u32 s1, s0  }
0xbe: {  	s0 =	sadd.s32 $0x8F2B, s0  }
0xbf: {  	[sflag:s0] =	ssyncadd.remote.s32 $0x1  }
0xc0: {  	_ =	sfence.sel $0xFFFF  }
0xc1: {  	[dreg:$0x0] =	wrdreg $0xFFFFFFFF;
	(pc) =	sbr.abs _section_cstart, $3  }
0xc2: {  	[dreg:$0x1] =	wrdreg $0xFFFFFFFF  }
0xc3: {  	_ =	task.clear_ibuf [dreg:s8], $0x2FFFF;
	_ =	strace $0x9FFFFFFF  }
0xc4: {  	(tm) =	ssettm $0x7FFFFFFF  }
0xc5: {  	_ =	shalt  }
tec
execute0_lowered:
.L_overlay_start_1:
0x0: {  	(tag) =	ssettag $0x1  }
0x1: {  	s1 =	rddreg [dreg:$0x0]  }
0x2: {  	s0 =	srdreg.scid;
	s2 =	rddreg [dreg:$0x1]  }
0x3: {  	s3 =	stileid.u32;
	s5 =	rddreg [dreg:$0x2];
	s29 =	simm.s32 $0x1  }
0x4: {  	s30 =	simm.s32 $0x4;
	s28 =	simm.s32 $0x7100;
	s14 =	simm.s32 $0xA900  }
0x5: {  	s15 =	simm.s32 $0xB100;
	s16 =	simm.s32 $0xB900;
	s17 =	simm.s32 $0xC100  }
0x6: {  	s31 =	simm.s32 $0xC900;
	s18 =	simm.s32 $0xD900;
	s0 =	sand.u32 $0x1, s0  }
0x7: {  	s19 =	simm.s32 $0xE100;
	s3 =	sshll.u32 s3, $0x9;
	s4 =	sshll.u32 s0, $0x8  }
0x8: {  	s13 =	simm.s32 $0xE900;
	s7 =	sadd.s32 $0x300, s1;
	s4 =	sor.u32 s4, s3  }
0x9: {  	s3 =	simm.s32 $0x0;
	s6 =	sshrl.u32 s4, $0x3;
	s4 =	sshll.u32 s4, $0x7  }
0xa: {  	[smem:$0x7FF] =	sst s3;
	s2 =	sadd.s32 s6, s2;
	s4 =	sadd.s32 s5, s4  }
0xb: {  	_ =	strace $0x80000047;
	s2 =	sadd.s32 $0x800, s2;
	[dreg:$0xb] =	wrdreg s4  }
0xc: {  	s0 =	ssub.s32 $0x2, s0;
	s20 =	sadd.s32 $0x1400, s4;
	[dreg:$0x4] =	wrdreg s2  }
0xd: {  	s21 =	sshrl.u32 s0, $0x1;
	s22 =	sadd.s32 $0x2800, s4;
	[dreg:$0x5] =	wrdreg s20  }
0xe: {  	s0 =	ssub.s32 s0, s21;
	s23 =	sadd.s32 $0x3C00, s4;
	[dreg:$0x6] =	wrdreg s22  }
0xf: {  	s5 =	sadd.s32 $0x100, s1;
	s24 =	sadd.s32 $0x5000, s4;
	[dreg:$0x7] =	wrdreg s23  }
0x10: {  	s6 =	sadd.s32 $0x200, s1;
	s25 =	sadd.s32 $0x6400, s4;
	[dreg:$0x8] =	wrdreg s24  }
0x11: {  	v2 =	vlaneseq.u32;
	s8 =	smax.u32 s0, $0x1;
	s26 =	sadd.s32 $0x7800, s4;
	[dreg:$0x9] =	wrdreg s25  }
0x12: {  	vm0 =	vmmov $0xffff;
	v1 =	vshrl.u32 v2, $0x3;
	[dreg:$0xa] =	wrdreg s26;
	s2 =	simm.s32 $0x100;
	s22 =	simm.s32 $0x4900  }
0x13: {  	v0 =	vand.u32 $0x7, v2;
	v2 =	vor.u32 $0x8, v2;
	v1 =	vmul.u32 $0x8, v1;
	s23 =	simm.s32 $0x5100;
	s24 =	simm.s32 $0x5900;
	s26 =	simm.s32 $0x6900  }
.LBB2_1:
0x14: {  	s20 =	rddreg [dreg:$0x4];
	s4 =	simm.s32 $0x7  }
0x15: {  	[tilespmem:s3], [sflag:$0x7] =	stream.linear.gather [hbm4b:s20+s3], $0x100, $0x38;
	[tilespmem:$0x1E100] =	vst v63  }
0x16: {  	_ =	swait.ge [sflag:s4], $0x100  }
0x17: {  	[sflag:s4] =	ssyncset.done $0x0  }
0x18: {  	[sflag:s4] =	ssyncadd.s32 $0xFFFFFF00  }
0x19: {  	v3 =	vld [tilespmem:$0x0];
	_ =	sdelay $0x4  }
0x1a: {  	v4 =	vshll.u32 v3, $0x3  }
0x1b: {  	v3 =	vand.u32 $0x7, v3;
	v4 =	vand.u32 $0xFFFFFFC0, v4  }
0x1c: {  	v3 =	vor.u32 v3, v4  }
0x1d: {  	v4 =	vperm.xlane v3, v0;
	_ =	sdelay $0x1  }
0x1e: {  	v4 =	vadd.s32 v1, v4;
	_ =	sdelay $0x4  }
0x1f: {  	[tilespmem:s2], [sflag:$0x1] =	stream.indirect_vreg.gather [hbm4b:s1+s3], $0x80, v4, vm0, $0xb8;
	[tilespmem:$0x1E100] =	vst v63  }
0x20: {  	s0 =	simm.s32 $0x900;
	v3 =	vperm.xlane v3, v2  }
0x21: {  	[tilespmem:s0], [sflag:$0x1] =	stream.indirect_vreg.gather [hbm4b:s5+s3], $0x80, v4, vm0, $0xb8;
	[tilespmem:$0x1E100] =	vst v63  }
0x22: {  	s9 =	simm.s32 $0x1100;
	v3 =	vadd.s32 v1, v3  }
0x23: {  	[tilespmem:s9], [sflag:$0x1] =	stream.indirect_vreg.gather [hbm4b:s6+s3], $0x80, v4, vm0, $0xb8;
	[tilespmem:$0x1E100] =	vst v63  }
0x24: {  	s10 =	simm.s32 $0x1900  }
0x25: {  	[tilespmem:s10], [sflag:$0x1] =	stream.indirect_vreg.gather [hbm4b:s7+s3], $0x80, v4, vm0, $0xb8;
	[tilespmem:$0x1E100] =	vst v63  }
0x26: {  	s11 =	simm.s32 $0x2100  }
0x27: {  	[tilespmem:s11], [sflag:$0x1] =	stream.indirect_vreg.gather [hbm4b:s1+s3], $0x80, v3, vm0, $0xb8;
	[tilespmem:$0x1E100] =	vst v63  }
0x28: {  	s12 =	simm.s32 $0x2900  }
0x29: {  	[tilespmem:s12], [sflag:$0x1] =	stream.indirect_vreg.gather [hbm4b:s5+s3], $0x80, v3, vm0, $0xb8;
	[tilespmem:$0x1E100] =	vst v63  }
0x2a: {  	s20 =	simm.s32 $0x3100  }
0x2b: {  	[tilespmem:s20], [sflag:$0x1] =	stream.indirect_vreg.gather [hbm4b:s6+s3], $0x80, v3, vm0, $0xb8;
	[tilespmem:$0x1E100] =	vst v63  }
0x2c: {  	s21 =	simm.s32 $0x3900  }
0x2d: {  	[tilespmem:s21], [sflag:$0x1] =	stream.indirect_vreg.gather [hbm4b:s7+s3], $0x80, v3, vm0, $0xb8;
	[tilespmem:$0x1E100] =	vst v63  }
0x2e: {  	v3 =	vld [tilespmem:$0x10];
	_ =	sdelay $0x4  }
0x2f: {  	v46 =	vshll.u32 v3, $0x3  }
0x30: {  	v3 =	vand.u32 $0x7, v3;
	v4 =	vand.u32 $0xFFFFFFC0, v46  }
0x31: {  	v3 =	vor.u32 v3, v4  }
0x32: {  	v4 =	vperm.xlane v3, v0;
	_ =	sdelay $0x1  }
0x33: {  	v4 =	vadd.s32 v1, v4;
	_ =	sdelay $0x3  }
0x34: {  	s20 =	simm.s32 $0x4100  }
0x35: {  	[tilespmem:s20], [sflag:$0x1] =	stream.indirect_vreg.gather [hbm4b:s1+s3], $0x80, v4, vm0, $0xb8;
	[tilespmem:$0x1E100] =	vst v63  }
0x36: {  	v3 =	vperm.xlane v3, v2  }
0x37: {  	[tilespmem:s22], [sflag:$0x1] =	stream.indirect_vreg.gather [hbm4b:s5+s3], $0x80, v4, vm0, $0xb8;
	[tilespmem:$0x1E100] =	vst v63  }
0x38: {  	v3 =	vadd.s32 v1, v3  }
0x39: {  	[tilespmem:s23], [sflag:$0x1] =	stream.indirect_vreg.gather [hbm4b:s6+s3], $0x80, v4, vm0, $0xb8;
	[tilespmem:$0x1E100] =	vst v63  }
0x3a: {  	_ = 	snop  }
0x3b: {  	[tilespmem:s24], [sflag:$0x1] =	stream.indirect_vreg.gather [hbm4b:s7+s3], $0x80, v4, vm0, $0xb8;
	[tilespmem:$0x1E100] =	vst v63  }
0x3c: {  	s4 =	simm.s32 $0x6100  }
0x3d: {  	[tilespmem:s4], [sflag:$0x1] =	stream.indirect_vreg.gather [hbm4b:s1+s3], $0x80, v3, vm0, $0xb8;
	[tilespmem:$0x1E100] =	vst v63  }
0x3e: {  	_ = 	snop  }
0x3f: {  	[tilespmem:s26], [sflag:$0x1] =	stream.indirect_vreg.gather [hbm4b:s5+s3], $0x80, v3, vm0, $0xb8;
	[tilespmem:$0x1E100] =	vst v63  }
0x40: {  	_ = 	snop  }
0x41: {  	[tilespmem:s28], [sflag:$0x1] =	stream.indirect_vreg.gather [hbm4b:s6+s3], $0x80, v3, vm0, $0xb8;
	[tilespmem:$0x1E100] =	vst v63  }
0x42: {  	s9 =	simm.s32 $0x7900  }
0x43: {  	[tilespmem:s9], [sflag:$0x1] =	stream.indirect_vreg.gather [hbm4b:s7+s3], $0x80, v3, vm0, $0xb8;
	[tilespmem:$0x1E100] =	vst v63  }
0x44: {  	v3 =	vld.msk [tilespmem:$0x20], $0xff;
	_ =	sdelay $0x4  }
0x45: {  	v47 =	vshll.u32 v3, $0x3  }
0x46: {  	v3 =	vand.u32 $0x7, v3;
	v4 =	vand.u32 $0xFFFFFFC0, v47  }
0x47: {  	v3 =	vor.u32 v3, v4  }
0x48: {  	v3 =	vperm.xlane v3, v0;
	_ =	sdelay $0x1  }
0x49: {  	v3 =	vadd.s32 v1, v3;
	_ =	sdelay $0x3  }
0x4a: {  	s11 =	simm.s32 $0x8100  }
0x4b: {  	[tilespmem:s11], [sflag:$0x1] =	stream.indirect_vreg.gather [hbm4b:s1+s3], $0x80, v3, vm0, $0xb8;
	[tilespmem:$0x1E100] =	vst v63  }
0x4c: {  	s21 =	simm.s32 $0x8900  }
0x4d: {  	[tilespmem:s21], [sflag:$0x1] =	stream.indirect_vreg.gather [hbm4b:s5+s3], $0x80, v3, vm0, $0xb8;
	[tilespmem:$0x1E100] =	vst v63  }
0x4e: {  	s10 =	simm.s32 $0x9100  }
0x4f: {  	[tilespmem:s10], [sflag:$0x1] =	stream.indirect_vreg.gather [hbm4b:s6+s3], $0x80, v3, vm0, $0xb8;
	[tilespmem:$0x1E100] =	vst v63  }
0x50: {  	s12 =	simm.s32 $0x9900  }
0x51: {  	[tilespmem:s12], [sflag:$0x1] =	stream.indirect_vreg.gather [hbm4b:s7+s3], $0x80, v3, vm0, $0xb8;
	[tilespmem:$0x1E100] =	vst v63  }
0x52: {  	v3 =	vld [tilespmem:$0x28];
	_ =	sdelay $0x4  }
0x53: {  	v48 =	vshll.u32 v3, $0x3  }
0x54: {  	v3 =	vand.u32 $0x7, v3;
	v4 =	vand.u32 $0xFFFFFFC0, v48  }
0x55: {  	v3 =	vor.u32 v3, v4  }
0x56: {  	v4 =	vperm.xlane v3, v0;
	_ =	sdelay $0x1  }
0x57: {  	v4 =	vadd.s32 v1, v4;
	_ =	sdelay $0x3  }
0x58: {  	s25 =	simm.s32 $0xA100  }
0x59: {  	[tilespmem:s25], [sflag:$0x2] =	stream.indirect_vreg.gather [hbm4b:s1+s3], $0x80, v4, vm0, $0xb8;
	[tilespmem:$0x1E100] =	vst v63  }
0x5a: {  	v3 =	vperm.xlane v3, v2  }
0x5b: {  	[tilespmem:s14], [sflag:$0x2] =	stream.indirect_vreg.gather [hbm4b:s5+s3], $0x80, v4, vm0, $0xb8;
	[tilespmem:$0x1E100] =	vst v63  }
0x5c: {  	v3 =	vadd.s32 v1, v3  }
0x5d: {  	[tilespmem:s15], [sflag:$0x2] =	stream.indirect_vreg.gather [hbm4b:s6+s3], $0x80, v4, vm0, $0xb8;
	[tilespmem:$0x1E100] =	vst v63  }
0x5e: {  	_ = 	snop  }
0x5f: {  	[tilespmem:s16], [sflag:$0x2] =	stream.indirect_vreg.gather [hbm4b:s7+s3], $0x80, v4, vm0, $0xb8;
	[tilespmem:$0x1E100] =	vst v63  }
0x60: {  	_ = 	snop  }
0x61: {  	[tilespmem:s17], [sflag:$0x2] =	stream.indirect_vreg.gather [hbm4b:s1+s3], $0x80, v3, vm0, $0xb8;
	[tilespmem:$0x1E100] =	vst v63  }
0x62: {  	_ = 	snop  }
0x63: {  	[tilespmem:s31], [sflag:$0x2] =	stream.indirect_vreg.gather [hbm4b:s5+s3], $0x80, v3, vm0, $0xb8;
	[tilespmem:$0x1E100] =	vst v63  }
0x64: {  	s25 =	simm.s32 $0xD100  }
0x65: {  	[tilespmem:s25], [sflag:$0x2] =	stream.indirect_vreg.gather [hbm4b:s6+s3], $0x80, v3, vm0, $0xb8;
	[tilespmem:$0x1E100] =	vst v63  }
0x66: {  	_ = 	snop  }
0x67: {  	[tilespmem:s18], [sflag:$0x2] =	stream.indirect_vreg.gather [hbm4b:s7+s3], $0x80, v3, vm0, $0xb8;
	[tilespmem:$0x1E100] =	vst v63  }
0x68: {  	v3 =	vld [tilespmem:$0x38];
	_ =	sdelay $0x4  }
0x69: {  	v49 =	vshll.u32 v3, $0x3  }
0x6a: {  	v3 =	vand.u32 $0x7, v3;
	v4 =	vand.u32 $0xFFFFFFC0, v49  }
0x6b: {  	v3 =	vor.u32 v3, v4  }
0x6c: {  	v4 =	vperm.xlane v3, v0;
	_ =	sdelay $0x1  }
0x6d: {  	v4 =	vadd.s32 v1, v4;
	_ =	sdelay $0x4  }
0x6e: {  	[tilespmem:s19], [sflag:$0x2] =	stream.indirect_vreg.gather [hbm4b:s1+s3], $0x80, v4, vm0, $0xb8;
	[tilespmem:$0x1E100] =	vst v63  }
0x6f: {  	v3 =	vperm.xlane v3, v2  }
0x70: {  	[tilespmem:s13], [sflag:$0x2] =	stream.indirect_vreg.gather [hbm4b:s5+s3], $0x80, v4, vm0, $0xb8;
	[tilespmem:$0x1E100] =	vst v63  }
0x71: {  	s25 =	simm.s32 $0xF100;
	v3 =	vadd.s32 v1, v3  }
0x72: {  	[tilespmem:s25], [sflag:$0x2] =	stream.indirect_vreg.gather [hbm4b:s6+s3], $0x80, v4, vm0, $0xb8;
	[tilespmem:$0x1E100] =	vst v63  }
0x73: {  	s25 =	simm.s32 $0xF900  }
0x74: {  	[tilespmem:s25], [sflag:$0x2] =	stream.indirect_vreg.gather [hbm4b:s7+s3], $0x80, v4, vm0, $0xb8;
	[tilespmem:$0x1E100] =	vst v63  }
0x75: {  	s25 =	simm.s32 $0x10100  }
0x76: {  	[tilespmem:s25], [sflag:$0x2] =	stream.indirect_vreg.gather [hbm4b:s1+s3], $0x80, v3, vm0, $0xb8;
	[tilespmem:$0x1E100] =	vst v63  }
0x77: {  	s25 =	simm.s32 $0x10900  }
0x78: {  	[tilespmem:s25], [sflag:$0x2] =	stream.indirect_vreg.gather [hbm4b:s5+s3], $0x80, v3, vm0, $0xb8;
	[tilespmem:$0x1E100] =	vst v63  }
0x79: {  	s25 =	simm.s32 $0x11100  }
0x7a: {  	[tilespmem:s25], [sflag:$0x2] =	stream.indirect_vreg.gather [hbm4b:s6+s3], $0x80, v3, vm0, $0xb8;
	[tilespmem:$0x1E100] =	vst v63  }
0x7b: {  	s25 =	simm.s32 $0x11900  }
0x7c: {  	[tilespmem:s25], [sflag:$0x2] =	stream.indirect_vreg.gather [hbm4b:s7+s3], $0x80, v3, vm0, $0xb8;
	[tilespmem:$0x1E100] =	vst v63  }
0x7d: {  	v3 =	vld.msk [tilespmem:$0x48], $0xff;
	_ =	sdelay $0x4  }
0x7e: {  	v50 =	vshll.u32 v3, $0x3  }
0x7f: {  	v3 =	vand.u32 $0x7, v3;
	v4 =	vand.u32 $0xFFFFFFC0, v50  }
0x80: {  	v3 =	vor.u32 v3, v4  }
0x81: {  	v3 =	vperm.xlane v3, v0;
	_ =	sdelay $0x1  }
0x82: {  	v3 =	vadd.s32 v1, v3;
	_ =	sdelay $0x3  }
0x83: {  	s25 =	simm.s32 $0x12100  }
0x84: {  	[tilespmem:s25], [sflag:$0x2] =	stream.indirect_vreg.gather [hbm4b:s1+s3], $0x80, v3, vm0, $0xb8;
	[tilespmem:$0x1E100] =	vst v63  }
0x85: {  	s25 =	simm.s32 $0x12900  }
0x86: {  	[tilespmem:s25], [sflag:$0x2] =	stream.indirect_vreg.gather [hbm4b:s5+s3], $0x80, v3, vm0, $0xb8;
	[tilespmem:$0x1E100] =	vst v63  }
0x87: {  	s25 =	simm.s32 $0x13100  }
0x88: {  	[tilespmem:s25], [sflag:$0x2] =	stream.indirect_vreg.gather [hbm4b:s6+s3], $0x80, v3, vm0, $0xb8;
	[tilespmem:$0x1E100] =	vst v63  }
0x89: {  	s25 =	simm.s32 $0x13900  }
0x8a: {  	[tilespmem:s25], [sflag:$0x2] =	stream.indirect_vreg.gather [hbm4b:s7+s3], $0x80, v3, vm0, $0xb8;
	[tilespmem:$0x1E100] =	vst v63  }
0x8b: {  	v3 =	vld [tilespmem:$0x50];
	_ =	sdelay $0x4  }
0x8c: {  	v51 =	vshll.u32 v3, $0x3  }
0x8d: {  	v3 =	vand.u32 $0x7, v3;
	v4 =	vand.u32 $0xFFFFFFC0, v51  }
0x8e: {  	v3 =	vor.u32 v3, v4  }
0x8f: {  	v4 =	vperm.xlane v3, v0;
	_ =	sdelay $0x1  }
0x90: {  	v4 =	vadd.s32 v1, v4;
	_ =	sdelay $0x3  }
0x91: {  	s0 =	simm.s32 $0x14100  }
0x92: {  	[tilespmem:s0], [sflag:$0x3] =	stream.indirect_vreg.gather [hbm4b:s1+s3], $0x80, v4, vm0, $0xb8;
	[tilespmem:$0x1E100] =	vst v63  }
0x93: {  	s25 =	simm.s32 $0x14900;
	v3 =	vperm.xlane v3, v2  }
0x94: {  	[tilespmem:s25], [sflag:$0x3] =	stream.indirect_vreg.gather [hbm4b:s5+s3], $0x80, v4, vm0, $0xb8;
	[tilespmem:$0x1E100] =	vst v63  }
0x95: {  	v3 =	vadd.s32 v1, v3;
	s25 =	simm.s32 $0x15100  }
0x96: {  	[tilespmem:s25], [sflag:$0x3] =	stream.indirect_vreg.gather [hbm4b:s6+s3], $0x80, v4, vm0, $0xb8;
	[tilespmem:$0x1E100] =	vst v63  }
0x97: {  	s25 =	simm.s32 $0x15900  }
0x98: {  	[tilespmem:s25], [sflag:$0x3] =	stream.indirect_vreg.gather [hbm4b:s7+s3], $0x80, v4, vm0, $0xb8;
	[tilespmem:$0x1E100] =	vst v63  }
0x99: {  	s25 =	simm.s32 $0x16100  }
0x9a: {  	[tilespmem:s25], [sflag:$0x3] =	stream.indirect_vreg.gather [hbm4b:s1+s3], $0x80, v3, vm0, $0xb8;
	[tilespmem:$0x1E100] =	vst v63  }
0x9b: {  	s25 =	simm.s32 $0x16900  }
0x9c: {  	[tilespmem:s25], [sflag:$0x3] =	stream.indirect_vreg.gather [hbm4b:s5+s3], $0x80, v3, vm0, $0xb8;
	[tilespmem:$0x1E100] =	vst v63  }
0x9d: {  	s25 =	simm.s32 $0x17100  }
0x9e: {  	[tilespmem:s25], [sflag:$0x3] =	stream.indirect_vreg.gather [hbm4b:s6+s3], $0x80, v3, vm0, $0xb8;
	[tilespmem:$0x1E100] =	vst v63  }
0x9f: {  	s25 =	simm.s32 $0x17900  }
0xa0: {  	[tilespmem:s25], [sflag:$0x3] =	stream.indirect_vreg.gather [hbm4b:s7+s3], $0x80, v3, vm0, $0xb8;
	[tilespmem:$0x1E100] =	vst v63  }
0xa1: {  	v3 =	vld [tilespmem:$0x60];
	_ =	sdelay $0x4  }
0xa2: {  	v52 =	vshll.u32 v3, $0x3  }
0xa3: {  	v3 =	vand.u32 $0x7, v3;
	v4 =	vand.u32 $0xFFFFFFC0, v52  }
0xa4: {  	v3 =	vor.u32 v3, v4  }
0xa5: {  	v4 =	vperm.xlane v3, v0;
	_ =	sdelay $0x1  }
0xa6: {  	v4 =	vadd.s32 v1, v4;
	_ =	sdelay $0x3  }
0xa7: {  	s25 =	simm.s32 $0x18100  }
0xa8: {  	[tilespmem:s25], [sflag:$0x3] =	stream.indirect_vreg.gather [hbm4b:s1+s3], $0x80, v4, vm0, $0xb8;
	[tilespmem:$0x1E100] =	vst v63  }
0xa9: {  	v3 =	vperm.xlane v3, v2;
	s25 =	simm.s32 $0x18900  }
0xaa: {  	[tilespmem:s25], [sflag:$0x3] =	stream.indirect_vreg.gather [hbm4b:s5+s3], $0x80, v4, vm0, $0xb8;
	[tilespmem:$0x1E100] =	vst v63  }
0xab: {  	v3 =	vadd.s32 v1, v3;
	s25 =	simm.s32 $0x19100  }
0xac: {  	[tilespmem:s25], [sflag:$0x3] =	stream.indirect_vreg.gather [hbm4b:s6+s3], $0x80, v4, vm0, $0xb8;
	[tilespmem:$0x1E100] =	vst v63  }
0xad: {  	s25 =	simm.s32 $0x19900  }
0xae: {  	[tilespmem:s25], [sflag:$0x3] =	stream.indirect_vreg.gather [hbm4b:s7+s3], $0x80, v4, vm0, $0xb8;
	[tilespmem:$0x1E100] =	vst v63  }
0xaf: {  	s25 =	simm.s32 $0x1A100  }
0xb0: {  	[tilespmem:s25], [sflag:$0x3] =	stream.indirect_vreg.gather [hbm4b:s1+s3], $0x80, v3, vm0, $0xb8;
	[tilespmem:$0x1E100] =	vst v63  }
0xb1: {  	s25 =	simm.s32 $0x1A900  }
0xb2: {  	[tilespmem:s25], [sflag:$0x3] =	stream.indirect_vreg.gather [hbm4b:s5+s3], $0x80, v3, vm0, $0xb8;
	[tilespmem:$0x1E100] =	vst v63  }
0xb3: {  	s25 =	simm.s32 $0x1B100  }
0xb4: {  	[tilespmem:s25], [sflag:$0x3] =	stream.indirect_vreg.gather [hbm4b:s6+s3], $0x80, v3, vm0, $0xb8;
	[tilespmem:$0x1E100] =	vst v63  }
0xb5: {  	s25 =	simm.s32 $0x1B900  }
0xb6: {  	[tilespmem:s25], [sflag:$0x3] =	stream.indirect_vreg.gather [hbm4b:s7+s3], $0x80, v3, vm0, $0xb8;
	[tilespmem:$0x1E100] =	vst v63  }
0xb7: {  	v3 =	vld.msk [tilespmem:$0x70], $0xff;
	_ =	sdelay $0x4  }
0xb8: {  	v53 =	vshll.u32 v3, $0x3  }
0xb9: {  	v3 =	vand.u32 $0x7, v3;
	v4 =	vand.u32 $0xFFFFFFC0, v53  }
0xba: {  	v3 =	vor.u32 v3, v4  }
0xbb: {  	v3 =	vperm.xlane v3, v0;
	_ =	sdelay $0x1  }
0xbc: {  	v3 =	vadd.s32 v1, v3;
	_ =	sdelay $0x3  }
0xbd: {  	s25 =	simm.s32 $0x1C100  }
0xbe: {  	[tilespmem:s25], [sflag:$0x3] =	stream.indirect_vreg.gather [hbm4b:s1+s3], $0x80, v3, vm0, $0xb8;
	[tilespmem:$0x1E100] =	vst v63  }
0xbf: {  	s25 =	simm.s32 $0x1C900  }
0xc0: {  	[tilespmem:s25], [sflag:$0x3] =	stream.indirect_vreg.gather [hbm4b:s5+s3], $0x80, v3, vm0, $0xb8;
	[tilespmem:$0x1E100] =	vst v63  }
0xc1: {  	s25 =	simm.s32 $0x1D100  }
0xc2: {  	[tilespmem:s25], [sflag:$0x3] =	stream.indirect_vreg.gather [hbm4b:s6+s3], $0x80, v3, vm0, $0xb8;
	[tilespmem:$0x1E100] =	vst v63  }
0xc3: {  	s25 =	simm.s32 $0x1D900  }
0xc4: {  	[tilespmem:s25], [sflag:$0x3] =	stream.indirect_vreg.gather [hbm4b:s7+s3], $0x80, v3, vm0, $0xb8;
	[tilespmem:$0x1E100] =	vst v63  }
0xc5: {  	_ =	swait.ge [sflag:s29], $0xA000  }
0xc6: {  	[sflag:s29] =	ssyncset.done $0x0  }
0xc7: {  	s25 =	rddreg [dreg:$0xb];
	[sflag:s29] =	ssyncadd.s32 $0xFFFF6000  }
0xc8: {  	[hbm4b:s25+s3] =	stream.linear.scatter [tilespmem:s2], [sflag:$0x4], $0xA000, $0x38;
	[tilespmem:$0x1E100] =	vst v63  }
0xc9: {  	_ =	swait.ge [sflag:s30], $0xA000  }
0xca: {  	[sflag:s30] =	ssyncset.done $0x0  }
0xcb: {  	[sflag:s30] =	ssyncadd.s32 $0xFFFF6000  }
0xcc: {  	v3 =	vld [tilespmem:$0x78];
	_ =	sdelay $0x4  }
0xcd: {  	v54 =	vshll.u32 v3, $0x3  }
0xce: {  	v3 =	vand.u32 $0x7, v3;
	v4 =	vand.u32 $0xFFFFFFC0, v54  }
0xcf: {  	v3 =	vor.u32 v3, v4  }
0xd0: {  	v4 =	vperm.xlane v3, v0;
	_ =	sdelay $0x1  }
0xd1: {  	v4 =	vadd.s32 v1, v4;
	_ =	sdelay $0x4  }
0xd2: {  	[tilespmem:s2], [sflag:$0x1] =	stream.indirect_vreg.gather [hbm4b:s1+s3], $0x80, v4, vm0, $0xb8;
	[tilespmem:$0x1E100] =	vst v63  }
0xd3: {  	s25 =	simm.s32 $0x900;
	v3 =	vperm.xlane v3, v2  }
0xd4: {  	[tilespmem:s25], [sflag:$0x1] =	stream.indirect_vreg.gather [hbm4b:s5+s3], $0x80, v4, vm0, $0xb8;
	[tilespmem:$0x1E100] =	vst v63  }
0xd5: {  	v3 =	vadd.s32 v1, v3;
	s25 =	simm.s32 $0x1100  }
0xd6: {  	[tilespmem:s25], [sflag:$0x1] =	stream.indirect_vreg.gather [hbm4b:s6+s3], $0x80, v4, vm0, $0xb8;
	[tilespmem:$0x1E100] =	vst v63  }
0xd7: {  	s25 =	simm.s32 $0x1900  }
0xd8: {  	[tilespmem:s25], [sflag:$0x1] =	stream.indirect_vreg.gather [hbm4b:s7+s3], $0x80, v4, vm0, $0xb8;
	[tilespmem:$0x1E100] =	vst v63  }
0xd9: {  	s25 =	simm.s32 $0x2100  }
0xda: {  	[tilespmem:s25], [sflag:$0x1] =	stream.indirect_vreg.gather [hbm4b:s1+s3], $0x80, v3, vm0, $0xb8;
	[tilespmem:$0x1E100] =	vst v63  }
0xdb: {  	s25 =	simm.s32 $0x2900  }
0xdc: {  	[tilespmem:s25], [sflag:$0x1] =	stream.indirect_vreg.gather [hbm4b:s5+s3], $0x80, v3, vm0, $0xb8;
	[tilespmem:$0x1E100] =	vst v63  }
0xdd: {  	s25 =	simm.s32 $0x3100  }
0xde: {  	[tilespmem:s25], [sflag:$0x1] =	stream.indirect_vreg.gather [hbm4b:s6+s3], $0x80, v3, vm0, $0xb8;
	[tilespmem:$0x1E100] =	vst v63  }
0xdf: {  	s25 =	simm.s32 $0x3900  }
0xe0: {  	[tilespmem:s25], [sflag:$0x1] =	stream.indirect_vreg.gather [hbm4b:s7+s3], $0x80, v3, vm0, $0xb8;
	[tilespmem:$0x1E100] =	vst v63  }
0xe1: {  	v3 =	vld [tilespmem:$0x88];
	_ =	sdelay $0x4  }
0xe2: {  	v55 =	vshll.u32 v3, $0x3  }
0xe3: {  	v3 =	vand.u32 $0x7, v3;
	v4 =	vand.u32 $0xFFFFFFC0, v55  }
0xe4: {  	v3 =	vor.u32 v3, v4  }
0xe5: {  	v4 =	vperm.xlane v3, v0;
	_ =	sdelay $0x1  }
0xe6: {  	v4 =	vadd.s32 v1, v4;
	_ =	sdelay $0x4  }
0xe7: {  	[tilespmem:s20], [sflag:$0x1] =	stream.indirect_vreg.gather [hbm4b:s1+s3], $0x80, v4, vm0, $0xb8;
	[tilespmem:$0x1E100] =	vst v63  }
0xe8: {  	v3 =	vperm.xlane v3, v2  }
0xe9: {  	[tilespmem:s22], [sflag:$0x1] =	stream.indirect_vreg.gather [hbm4b:s5+s3], $0x80, v4, vm0, $0xb8;
	[tilespmem:$0x1E100] =	vst v63  }
0xea: {  	v3 =	vadd.s32 v1, v3  }
0xeb: {  	[tilespmem:s23], [sflag:$0x1] =	stream.indirect_vreg.gather [hbm4b:s6+s3], $0x80, v4, vm0, $0xb8;
	[tilespmem:$0x1E100] =	vst v63  }
0xec: {  	_ = 	snop  }
0xed: {  	[tilespmem:s24], [sflag:$0x1] =	stream.indirect_vreg.gather [hbm4b:s7+s3], $0x80, v4, vm0, $0xb8;
	[tilespmem:$0x1E100] =	vst v63  }
0xee: {  	_ = 	snop  }
0xef: {  	[tilespmem:s4], [sflag:$0x1] =	stream.indirect_vreg.gather [hbm4b:s1+s3], $0x80, v3, vm0, $0xb8;
	[tilespmem:$0x1E100] =	vst v63  }
0xf0: {  	_ = 	snop  }
0xf1: {  	[tilespmem:s26], [sflag:$0x1] =	stream.indirect_vreg.gather [hbm4b:s5+s3], $0x80, v3, vm0, $0xb8;
	[tilespmem:$0x1E100] =	vst v63  }
0xf2: {  	_ = 	snop  }
0xf3: {  	[tilespmem:s28], [sflag:$0x1] =	stream.indirect_vreg.gather [hbm4b:s6+s3], $0x80, v3, vm0, $0xb8;
	[tilespmem:$0x1E100] =	vst v63  }
0xf4: {  	_ = 	snop  }
0xf5: {  	[tilespmem:s9], [sflag:$0x1] =	stream.indirect_vreg.gather [hbm4b:s7+s3], $0x80, v3, vm0, $0xb8;
	[tilespmem:$0x1E100] =	vst v63  }
0xf6: {  	v3 =	vld.msk [tilespmem:$0x98], $0xff;
	_ =	sdelay $0x4  }
0xf7: {  	v56 =	vshll.u32 v3, $0x3  }
0xf8: {  	v3 =	vand.u32 $0x7, v3;
	v4 =	vand.u32 $0xFFFFFFC0, v56  }
0xf9: {  	v3 =	vor.u32 v3, v4  }
0xfa: {  	v3 =	vperm.xlane v3, v0;
	_ =	sdelay $0x1  }
0xfb: {  	v3 =	vadd.s32 v1, v3;
	_ =	sdelay $0x4  }
0xfc: {  	[tilespmem:s11], [sflag:$0x1] =	stream.indirect_vreg.gather [hbm4b:s1+s3], $0x80, v3, vm0, $0xb8;
	[tilespmem:$0x1E100] =	vst v63  }
0xfd: {  	_ = 	snop  }
0xfe: {  	[tilespmem:s21], [sflag:$0x1] =	stream.indirect_vreg.gather [hbm4b:s5+s3], $0x80, v3, vm0, $0xb8;
	[tilespmem:$0x1E100] =	vst v63  }
0xff: {  	_ = 	snop  }
0x100: {  	[tilespmem:s10], [sflag:$0x1] =	stream.indirect_vreg.gather [hbm4b:s6+s3], $0x80, v3, vm0, $0xb8;
	[tilespmem:$0x1E100] =	vst v63  }
0x101: {  	s4 =	simm.s32 $0x2  }
0x102: {  	[tilespmem:s12], [sflag:$0x1] =	stream.indirect_vreg.gather [hbm4b:s7+s3], $0x80, v3, vm0, $0xb8;
	[tilespmem:$0x1E100] =	vst v63  }
0x103: {  	_ =	swait.ge [sflag:s4], $0xA000  }
0x104: {  	s9 =	simm.s32 $0x5;
	[sflag:s4] =	ssyncset.done $0x0  }
0x105: {  	s12 =	simm.s32 $0xA100;
	s11 =	rddreg [dreg:$0x5];
	[sflag:s4] =	ssyncadd.s32 $0xFFFF6000  }
0x106: {  	[hbm4b:s11+s3] =	stream.linear.scatter [tilespmem:s12], [sflag:$0x5], $0xA000, $0x38;
	[tilespmem:$0x1E100] =	vst v63  }
0x107: {  	_ =	swait.ge [sflag:s9], $0xA000  }
0x108: {  	[sflag:s9] =	ssyncset.done $0x0  }
0x109: {  	[sflag:s9] =	ssyncadd.s32 $0xFFFF6000  }
0x10a: {  	v3 =	vld [tilespmem:$0xA0];
	_ =	sdelay $0x4  }
0x10b: {  	v57 =	vshll.u32 v3, $0x3  }
0x10c: {  	v3 =	vand.u32 $0x7, v3;
	v4 =	vand.u32 $0xFFFFFFC0, v57  }
0x10d: {  	v3 =	vor.u32 v3, v4  }
0x10e: {  	v4 =	vperm.xlane v3, v0;
	_ =	sdelay $0x1  }
0x10f: {  	v4 =	vadd.s32 v1, v4;
	_ =	sdelay $0x4  }
0x110: {  	[tilespmem:s12], [sflag:$0x2] =	stream.indirect_vreg.gather [hbm4b:s1+s3], $0x80, v4, vm0, $0xb8;
	[tilespmem:$0x1E100] =	vst v63  }
0x111: {  	v3 =	vperm.xlane v3, v2  }
0x112: {  	[tilespmem:s14], [sflag:$0x2] =	stream.indirect_vreg.gather [hbm4b:s5+s3], $0x80, v4, vm0, $0xb8;
	[tilespmem:$0x1E100] =	vst v63  }
0x113: {  	v3 =	vadd.s32 v1, v3  }
0x114: {  	[tilespmem:s15], [sflag:$0x2] =	stream.indirect_vreg.gather [hbm4b:s6+s3], $0x80, v4, vm0, $0xb8;
	[tilespmem:$0x1E100] =	vst v63  }
0x115: {  	_ = 	snop  }
0x116: {  	[tilespmem:s16], [sflag:$0x2] =	stream.indirect_vreg.gather [hbm4b:s7+s3], $0x80, v4, vm0, $0xb8;
	[tilespmem:$0x1E100] =	vst v63  }
0x117: {  	_ = 	snop  }
0x118: {  	[tilespmem:s17], [sflag:$0x2] =	stream.indirect_vreg.gather [hbm4b:s1+s3], $0x80, v3, vm0, $0xb8;
	[tilespmem:$0x1E100] =	vst v63  }
0x119: {  	_ = 	snop  }
0x11a: {  	[tilespmem:s31], [sflag:$0x2] =	stream.indirect_vreg.gather [hbm4b:s5+s3], $0x80, v3, vm0, $0xb8;
	[tilespmem:$0x1E100] =	vst v63  }
0x11b: {  	s20 =	simm.s32 $0xD100  }
0x11c: {  	[tilespmem:s20], [sflag:$0x2] =	stream.indirect_vreg.gather [hbm4b:s6+s3], $0x80, v3, vm0, $0xb8;
	[tilespmem:$0x1E100] =	vst v63  }
0x11d: {  	_ = 	snop  }
0x11e: {  	[tilespmem:s18], [sflag:$0x2] =	stream.indirect_vreg.gather [hbm4b:s7+s3], $0x80, v3, vm0, $0xb8;
	[tilespmem:$0x1E100] =	vst v63  }
0x11f: {  	v3 =	vld [tilespmem:$0xB0];
	_ =	sdelay $0x4  }
0x120: {  	v58 =	vshll.u32 v3, $0x3  }
0x121: {  	v3 =	vand.u32 $0x7, v3;
	v4 =	vand.u32 $0xFFFFFFC0, v58  }
0x122: {  	v3 =	vor.u32 v3, v4  }
0x123: {  	v4 =	vperm.xlane v3, v0;
	_ =	sdelay $0x1  }
0x124: {  	v4 =	vadd.s32 v1, v4;
	_ =	sdelay $0x4  }
0x125: {  	[tilespmem:s19], [sflag:$0x2] =	stream.indirect_vreg.gather [hbm4b:s1+s3], $0x80, v4, vm0, $0xb8;
	[tilespmem:$0x1E100] =	vst v63  }
0x126: {  	v3 =	vperm.xlane v3, v2  }
0x127: {  	[tilespmem:s13], [sflag:$0x2] =	stream.indirect_vreg.gather [hbm4b:s5+s3], $0x80, v4, vm0, $0xb8;
	[tilespmem:$0x1E100] =	vst v63  }
0x128: {  	s11 =	simm.s32 $0xF100;
	v3 =	vadd.s32 v1, v3  }
0x129: {  	[tilespmem:s11], [sflag:$0x2] =	stream.indirect_vreg.gather [hbm4b:s6+s3], $0x80, v4, vm0, $0xb8;
	[tilespmem:$0x1E100] =	vst v63  }
0x12a: {  	s12 =	simm.s32 $0xF900  }
0x12b: {  	[tilespmem:s12], [sflag:$0x2] =	stream.indirect_vreg.gather [hbm4b:s7+s3], $0x80, v4, vm0, $0xb8;
	[tilespmem:$0x1E100] =	vst v63  }
0x12c: {  	s20 =	simm.s32 $0x10100  }
0x12d: {  	[tilespmem:s20], [sflag:$0x2] =	stream.indirect_vreg.gather [hbm4b:s1+s3], $0x80, v3, vm0, $0xb8;
	[tilespmem:$0x1E100] =	vst v63  }
0x12e: {  	s11 =	simm.s32 $0x10900  }
0x12f: {  	[tilespmem:s11], [sflag:$0x2] =	stream.indirect_vreg.gather [hbm4b:s5+s3], $0x80, v3, vm0, $0xb8;
	[tilespmem:$0x1E100] =	vst v63  }
0x130: {  	s12 =	simm.s32 $0x11100  }
0x131: {  	[tilespmem:s12], [sflag:$0x2] =	stream.indirect_vreg.gather [hbm4b:s6+s3], $0x80, v3, vm0, $0xb8;
	[tilespmem:$0x1E100] =	vst v63  }
0x132: {  	s20 =	simm.s32 $0x11900  }
0x133: {  	[tilespmem:s20], [sflag:$0x2] =	stream.indirect_vreg.gather [hbm4b:s7+s3], $0x80, v3, vm0, $0xb8;
	[tilespmem:$0x1E100] =	vst v63  }
0x134: {  	v3 =	vld.msk [tilespmem:$0xC0], $0xff;
	_ =	sdelay $0x4  }
0x135: {  	v59 =	vshll.u32 v3, $0x3  }
0x136: {  	v3 =	vand.u32 $0x7, v3;
	v4 =	vand.u32 $0xFFFFFFC0, v59  }
0x137: {  	v3 =	vor.u32 v3, v4  }
0x138: {  	v3 =	vperm.xlane v3, v0;
	_ =	sdelay $0x1  }
0x139: {  	v3 =	vadd.s32 v1, v3;
	_ =	sdelay $0x3  }
0x13a: {  	s11 =	simm.s32 $0x12100  }
0x13b: {  	[tilespmem:s11], [sflag:$0x2] =	stream.indirect_vreg.gather [hbm4b:s1+s3], $0x80, v3, vm0, $0xb8;
	[tilespmem:$0x1E100] =	vst v63  }
0x13c: {  	s12 =	simm.s32 $0x12900  }
0x13d: {  	[tilespmem:s12], [sflag:$0x2] =	stream.indirect_vreg.gather [hbm4b:s5+s3], $0x80, v3, vm0, $0xb8;
	[tilespmem:$0x1E100] =	vst v63  }
0x13e: {  	s20 =	simm.s32 $0x13100  }
0x13f: {  	[tilespmem:s20], [sflag:$0x2] =	stream.indirect_vreg.gather [hbm4b:s6+s3], $0x80, v3, vm0, $0xb8;
	[tilespmem:$0x1E100] =	vst v63  }
0x140: {  	s10 =	simm.s32 $0x3;
	s11 =	simm.s32 $0x13900  }
0x141: {  	[tilespmem:s11], [sflag:$0x2] =	stream.indirect_vreg.gather [hbm4b:s7+s3], $0x80, v3, vm0, $0xb8;
	[tilespmem:$0x1E100] =	vst v63  }
0x142: {  	_ =	swait.ge [sflag:s10], $0xA000  }
0x143: {  	[sflag:s10] =	ssyncset.done $0x0  }
0x144: {  	s11 =	simm.s32 $0x6;
	s12 =	rddreg [dreg:$0x6];
	[sflag:s10] =	ssyncadd.s32 $0xFFFF6000  }
0x145: {  	[hbm4b:s12+s3] =	stream.linear.scatter [tilespmem:s0], [sflag:$0x6], $0xA000, $0x38;
	[tilespmem:$0x1E100] =	vst v63  }
0x146: {  	_ =	swait.ge [sflag:s11], $0xA000  }
0x147: {  	[sflag:s11] =	ssyncset.done $0x0  }
0x148: {  	[sflag:s11] =	ssyncadd.s32 $0xFFFF6000  }
0x149: {  	v3 =	vld [tilespmem:$0xC8];
	_ =	sdelay $0x4  }
0x14a: {  	v60 =	vshll.u32 v3, $0x3  }
0x14b: {  	v3 =	vand.u32 $0x7, v3;
	v4 =	vand.u32 $0xFFFFFFC0, v60  }
0x14c: {  	v3 =	vor.u32 v3, v4  }
0x14d: {  	v4 =	vperm.xlane v3, v0;
	_ =	sdelay $0x1  }
0x14e: {  	v4 =	vadd.s32 v1, v4;
	_ =	sdelay $0x4  }
0x14f: {  	[tilespmem:s0], [sflag:$0x3] =	stream.indirect_vreg.gather [hbm4b:s1+s3], $0x80, v4, vm0, $0xb8;
	[tilespmem:$0x1E100] =	vst v63  }
0x150: {  	s20 =	simm.s32 $0x14900;
	v3 =	vperm.xlane v3, v2  }
0x151: {  	[tilespmem:s20], [sflag:$0x3] =	stream.indirect_vreg.gather [hbm4b:s5+s3], $0x80, v4, vm0, $0xb8;
	[tilespmem:$0x1E100] =	vst v63  }
0x152: {  	v3 =	vadd.s32 v1, v3;
	s20 =	simm.s32 $0x15100  }
0x153: {  	[tilespmem:s20], [sflag:$0x3] =	stream.indirect_vreg.gather [hbm4b:s6+s3], $0x80, v4, vm0, $0xb8;
	[tilespmem:$0x1E100] =	vst v63  }
0x154: {  	s20 =	simm.s32 $0x15900  }
0x155: {  	[tilespmem:s20], [sflag:$0x3] =	stream.indirect_vreg.gather [hbm4b:s7+s3], $0x80, v4, vm0, $0xb8;
	[tilespmem:$0x1E100] =	vst v63  }
0x156: {  	s20 =	simm.s32 $0x16100  }
0x157: {  	[tilespmem:s20], [sflag:$0x3] =	stream.indirect_vreg.gather [hbm4b:s1+s3], $0x80, v3, vm0, $0xb8;
	[tilespmem:$0x1E100] =	vst v63  }
0x158: {  	s20 =	simm.s32 $0x16900  }
0x159: {  	[tilespmem:s20], [sflag:$0x3] =	stream.indirect_vreg.gather [hbm4b:s5+s3], $0x80, v3, vm0, $0xb8;
	[tilespmem:$0x1E100] =	vst v63  }
0x15a: {  	s20 =	simm.s32 $0x17100  }
0x15b: {  	[tilespmem:s20], [sflag:$0x3] =	stream.indirect_vreg.gather [hbm4b:s6+s3], $0x80, v3, vm0, $0xb8;
	[tilespmem:$0x1E100] =	vst v63  }
0x15c: {  	s20 =	simm.s32 $0x17900  }
0x15d: {  	[tilespmem:s20], [sflag:$0x3] =	stream.indirect_vreg.gather [hbm4b:s7+s3], $0x80, v3, vm0, $0xb8;
	[tilespmem:$0x1E100] =	vst v63  }
0x15e: {  	v3 =	vld [tilespmem:$0xD8];
	_ =	sdelay $0x4  }
0x15f: {  	v61 =	vshll.u32 v3, $0x3  }
0x160: {  	v3 =	vand.u32 $0x7, v3;
	v4 =	vand.u32 $0xFFFFFFC0, v61  }
0x161: {  	v3 =	vor.u32 v3, v4  }
0x162: {  	v4 =	vperm.xlane v3, v0;
	_ =	sdelay $0x1  }
0x163: {  	v4 =	vadd.s32 v1, v4;
	_ =	sdelay $0x3  }
0x164: {  	s20 =	simm.s32 $0x18100  }
0x165: {  	[tilespmem:s20], [sflag:$0x3] =	stream.indirect_vreg.gather [hbm4b:s1+s3], $0x80, v4, vm0, $0xb8;
	[tilespmem:$0x1E100] =	vst v63  }
0x166: {  	v3 =	vperm.xlane v3, v2;
	s20 =	simm.s32 $0x18900  }
0x167: {  	[tilespmem:s20], [sflag:$0x3] =	stream.indirect_vreg.gather [hbm4b:s5+s3], $0x80, v4, vm0, $0xb8;
	[tilespmem:$0x1E100] =	vst v63  }
0x168: {  	v3 =	vadd.s32 v1, v3;
	s20 =	simm.s32 $0x19100  }
0x169: {  	[tilespmem:s20], [sflag:$0x3] =	stream.indirect_vreg.gather [hbm4b:s6+s3], $0x80, v4, vm0, $0xb8;
	[tilespmem:$0x1E100] =	vst v63  }
0x16a: {  	s20 =	simm.s32 $0x19900  }
0x16b: {  	[tilespmem:s20], [sflag:$0x3] =	stream.indirect_vreg.gather [hbm4b:s7+s3], $0x80, v4, vm0, $0xb8;
	[tilespmem:$0x1E100] =	vst v63  }
0x16c: {  	s20 =	simm.s32 $0x1A100  }
0x16d: {  	[tilespmem:s20], [sflag:$0x3] =	stream.indirect_vreg.gather [hbm4b:s1+s3], $0x80, v3, vm0, $0xb8;
	[tilespmem:$0x1E100] =	vst v63  }
0x16e: {  	s20 =	simm.s32 $0x1A900  }
0x16f: {  	[tilespmem:s20], [sflag:$0x3] =	stream.indirect_vreg.gather [hbm4b:s5+s3], $0x80, v3, vm0, $0xb8;
	[tilespmem:$0x1E100] =	vst v63  }
0x170: {  	s20 =	simm.s32 $0x1B100  }
0x171: {  	[tilespmem:s20], [sflag:$0x3] =	stream.indirect_vreg.gather [hbm4b:s6+s3], $0x80, v3, vm0, $0xb8;
	[tilespmem:$0x1E100] =	vst v63  }
0x172: {  	s20 =	simm.s32 $0x1B900  }
0x173: {  	[tilespmem:s20], [sflag:$0x3] =	stream.indirect_vreg.gather [hbm4b:s7+s3], $0x80, v3, vm0, $0xb8;
	[tilespmem:$0x1E100] =	vst v63  }
0x174: {  	v3 =	vld.msk [tilespmem:$0xE8], $0xff;
	_ =	sdelay $0x4  }
0x175: {  	v62 =	vshll.u32 v3, $0x3  }
0x176: {  	v3 =	vand.u32 $0x7, v3;
	v4 =	vand.u32 $0xFFFFFFC0, v62  }
0x177: {  	v3 =	vor.u32 v3, v4  }
0x178: {  	v3 =	vperm.xlane v3, v0;
	_ =	sdelay $0x1  }
0x179: {  	v3 =	vadd.s32 v1, v3;
	_ =	sdelay $0x3  }
0x17a: {  	s20 =	simm.s32 $0x1C100  }
0x17b: {  	[tilespmem:s20], [sflag:$0x3] =	stream.indirect_vreg.gather [hbm4b:s1+s3], $0x80, v3, vm0, $0xb8;
	[tilespmem:$0x1E100] =	vst v63  }
0x17c: {  	s20 =	simm.s32 $0x1C900  }
0x17d: {  	[tilespmem:s20], [sflag:$0x3] =	stream.indirect_vreg.gather [hbm4b:s5+s3], $0x80, v3, vm0, $0xb8;
	[tilespmem:$0x1E100] =	vst v63  }
0x17e: {  	s20 =	simm.s32 $0x1D100  }
0x17f: {  	[tilespmem:s20], [sflag:$0x3] =	stream.indirect_vreg.gather [hbm4b:s6+s3], $0x80, v3, vm0, $0xb8;
	[tilespmem:$0x1E100] =	vst v63  }
0x180: {  	s20 =	simm.s32 $0x1D900  }
0x181: {  	[tilespmem:s20], [sflag:$0x3] =	stream.indirect_vreg.gather [hbm4b:s7+s3], $0x80, v3, vm0, $0xb8;
	[tilespmem:$0x1E100] =	vst v63  }
0x182: {  	_ =	swait.ge [sflag:s29], $0xA000  }
0x183: {  	[sflag:s29] =	ssyncset.done $0x0  }
0x184: {  	s12 =	rddreg [dreg:$0x7];
	[sflag:s29] =	ssyncadd.s32 $0xFFFF6000  }
0x185: {  	[hbm4b:s12+s3] =	stream.linear.scatter [tilespmem:s2], [sflag:$0x4], $0xA000, $0x38;
	[tilespmem:$0x1E100] =	vst v63  }
0x186: {  	_ =	swait.ge [sflag:s30], $0xA000  }
0x187: {  	[sflag:s30] =	ssyncset.done $0x0  }
0x188: {  	[sflag:s30] =	ssyncadd.s32 $0xFFFF6000  }
0x189: {  	v3 =	vld [tilespmem:$0xF0];
	_ =	sdelay $0x4  }
0x18a: {  	v63 =	vshll.u32 v3, $0x3  }
0x18b: {  	v3 =	vand.u32 $0x7, v3;
	v4 =	vand.u32 $0xFFFFFFC0, v63  }
0x18c: {  	v3 =	vor.u32 v3, v4  }
0x18d: {  	v4 =	vperm.xlane v3, v0;
	_ =	sdelay $0x1  }
0x18e: {  	v4 =	vadd.s32 v1, v4;
	_ =	sdelay $0x4  }
0x18f: {  	[tilespmem:s2], [sflag:$0x1] =	stream.indirect_vreg.gather [hbm4b:s1+s3], $0x80, v4, vm0, $0xb8;
	[tilespmem:$0x1E100] =	vst v63  }
0x190: {  	s20 =	simm.s32 $0x900;
	v3 =	vperm.xlane v3, v2  }
0x191: {  	[tilespmem:s20], [sflag:$0x1] =	stream.indirect_vreg.gather [hbm4b:s5+s3], $0x80, v4, vm0, $0xb8;
	[tilespmem:$0x1E100] =	vst v63  }
0x192: {  	v3 =	vadd.s32 v1, v3;
	s20 =	simm.s32 $0x1100  }
0x193: {  	[tilespmem:s20], [sflag:$0x1] =	stream.indirect_vreg.gather [hbm4b:s6+s3], $0x80, v4, vm0, $0xb8;
	[tilespmem:$0x1E100] =	vst v63  }
0x194: {  	s20 =	simm.s32 $0x1900  }
0x195: {  	[tilespmem:s20], [sflag:$0x1] =	stream.indirect_vreg.gather [hbm4b:s7+s3], $0x80, v4, vm0, $0xb8;
	[tilespmem:$0x1E100] =	vst v63  }
0x196: {  	s20 =	simm.s32 $0x2100  }
0x197: {  	[tilespmem:s20], [sflag:$0x1] =	stream.indirect_vreg.gather [hbm4b:s1+s3], $0x80, v3, vm0, $0xb8;
	[tilespmem:$0x1E100] =	vst v63  }
0x198: {  	s20 =	simm.s32 $0x2900  }
0x199: {  	[tilespmem:s20], [sflag:$0x1] =	stream.indirect_vreg.gather [hbm4b:s5+s3], $0x80, v3, vm0, $0xb8;
	[tilespmem:$0x1E100] =	vst v63  }
0x19a: {  	s20 =	simm.s32 $0x3100  }
0x19b: {  	[tilespmem:s20], [sflag:$0x1] =	stream.indirect_vreg.gather [hbm4b:s6+s3], $0x80, v3, vm0, $0xb8;
	[tilespmem:$0x1E100] =	vst v63  }
0x19c: {  	s25 =	simm.s32 $0x3900  }
0x19d: {  	[tilespmem:s25], [sflag:$0x1] =	stream.indirect_vreg.gather [hbm4b:s7+s3], $0x80, v3, vm0, $0xb8;
	[tilespmem:$0x1E100] =	vst v63  }
0x19e: {  	_ =	swait.ge [sflag:s4], $0xA000  }
0x19f: {  	[sflag:s4] =	ssyncset.done $0x0  }
0x1a0: {  	s21 =	simm.s32 $0xA100;
	s12 =	rddreg [dreg:$0x8];
	[sflag:s4] =	ssyncadd.s32 $0xFFFF6000  }
0x1a1: {  	[hbm4b:s12+s3] =	stream.linear.scatter [tilespmem:s21], [sflag:$0x5], $0xA000, $0x38;
	[tilespmem:$0x1E100] =	vst v63  }
0x1a2: {  	_ =	swait.ge [sflag:s10], $0xA000  }
0x1a3: {  	[sflag:s10] =	ssyncset.done $0x0  }
0x1a4: {  	s21 =	rddreg [dreg:$0x9];
	[sflag:s10] =	ssyncadd.s32 $0xFFFF6000  }
0x1a5: {  	[hbm4b:s21+s3] =	stream.linear.scatter [tilespmem:s0], [sflag:$0x6], $0xA000, $0x38;
	[tilespmem:$0x1E100] =	vst v63  }
0x1a6: {  	_ =	swait.ge [sflag:s29], $0x4000  }
0x1a7: {  	[sflag:s29] =	ssyncset.done $0x0  }
0x1a8: {  	s25 =	rddreg [dreg:$0xa];
	[sflag:s29] =	ssyncadd.s32 $0xFFFFC000  }
0x1a9: {  	[hbm4b:s25+s3] =	stream.linear.scatter [tilespmem:s2], [sflag:$0x4], $0x4000, $0x38;
	[tilespmem:$0x1E100] =	vst v63  }
0x1aa: {  	_ =	swait.ge [sflag:s9], $0xA000  }
0x1ab: {  	[sflag:s9] =	ssyncset.done $0x0  }
0x1ac: {  	[sflag:s9] =	ssyncadd.s32 $0xFFFF6000  }
0x1ad: {  	p0 =	sne.s32 s8, $0x1;
	_ =	swait.ge [sflag:s11], $0xA000  }
.Ltmp0:
0x1ae: {  	[sflag:s11] =	ssyncset.done $0x0;
	(pc) =	sbr.rel @p0 .LBB2_1-.Ltmp0, $4  }
0x1af: {  	[sflag:s11] =	ssyncadd.s32 $0xFFFF6000  }
0x1b0: {  	_ =	swait.ge [sflag:s30], $0x4000  }
0x1b1: {  	[sflag:s30] =	ssyncset.done $0x0  }
0x1b2: {  	s8 =	sadd.s32 $0xFFFFFFFF, s8;
	[sflag:s30] =	ssyncadd.s32 $0xFFFFC000  }
0x1b3: {  	_ =	sfence.sel $0x180000  }
0x1b4: {  	[bflag:$0x0] =	sbarrier.arrive $0xFFFF  }
0x1b5: {  	_ =	strace $0x90000047  }
0x1b6: {  	s0 =	stileid.u32;
	[bflag:$0x2] =	sbarrier.arrive $0xFFFF  }
0x1b7: {  	p0 =	sne.s32 s0, $0x0;
	s0 =	rddreg [dreg:$0x3]  }
0x1b8: {  	s0 =	sadd.s32 @!p0 $0x100000, s0  }
0x1b9: {  	[sflag:s0] =	ssyncadd.tile.s32 @!p0 $0x1;
	_ =	shalt  }
.Lfunc_end2:
_tile_overlayer_lowered:
.L_overlay_start_2:
0x1ba: {  	(tag) =	ssettag $0x2  }
0x1bb: {  	s0 =	rddreg [dreg:$0x0];
	s2 =	stileid.u32  }
0x1bc: {  	s1 =	rddreg [dreg:$0x1];
	p0 =	sne.s32 s2, $0x0  }
0x1bd: {  	s3 =	rddreg [dreg:$0x2];
	[bflag:$0x3] =	sbarrier.arrive $0xFFFF;
	s2 =	simm.s32 @!p0 $0x1C07  }
0x1be: {  	[timem:s3], [sflag:s2] =	dma.local @!p0 [hbm:s0], s1  }
0x1bf: {  	s0 =	simm.s32 @!p0 $0x7  }
0x1c0: {  	_ =	swait.ge @!p0 [sflag:s0], s1  }
0x1c1: {  	s1 =	ssub.s32 @!p0 $0x0, s1;
	[sflag:s0] =	ssyncset.done @!p0 $0x0  }
0x1c2: {  	[sflag:s0] =	ssyncadd.s32 @!p0 s1  }
0x1c3: {  	[bflag:$0x3] =	sbarrier.arrive $0xFFFF  }
0x1c4: {  	_ =	shalt  }

</sc_bundles>
